<compile_context>
chip_gen: v7x
topology: tpu7x:2x2x1
jax: 0.10.2.dev20260603
libtpu: 0.0.44.dev20260713+nightly
codegen_flags: <defaults>
</compile_context>

<pallas_src>
import functools

import jax
import jax.numpy as jnp
from jax import lax
from jax.experimental import pallas as pl
from jax.experimental.pallas import tpu as pltpu
from jax.experimental.pallas import tpu_sc as plsc

RES = 256
P = RES * RES
TW = 16
TH = 16
PB = TW * TH
NTX = RES // TW
CHUNKS = (128, 1920)
TPG = 4
BIG = 1 << 30


def _sc_gather(table, idx):
    B = idx.shape[0]
    D = table.shape[1]
    n_workers = 32
    bpw = B // n_workers
    n_chunks = 2
    cw = bpw // n_chunks
    mesh = plsc.VectorSubcoreMesh(core_axis_name="c", subcore_axis_name="s")

    @functools.partial(
        pl.kernel,
        mesh=mesh,
        out_type=jax.ShapeDtypeStruct((B, D), jnp.float32),
        scratch_types=[
            pltpu.VMEM((n_chunks, cw), jnp.int32),
            pltpu.VMEM((cw, D), jnp.float32),
            pltpu.SemaphoreType.DMA,
        ],
    )
    def k(table_hbm, idx_hbm, out_hbm, idx_v, rows_v, sem):
        wid = lax.axis_index("s") * 2 + lax.axis_index("c")
        base = wid * bpw
        for j in range(n_chunks):
            pltpu.sync_copy(idx_hbm.at[pl.ds(base + j * cw, cw)], idx_v.at[j])
            pltpu.async_copy(table_hbm.at[idx_v.at[j]], rows_v, sem).wait()
            pltpu.sync_copy(rows_v, out_hbm.at[pl.ds(base + j * cw, cw)])

    return k(table, idx)


def _raster_body(
    vdata_ref, a0_ref, a1_ref, a2_ref, out_ref, fidx_s, acc_s, done_s, coef_s
):
    F = a0_ref.shape[0]
    pid = pl.program_id(0)

    @pl.when(pid == 0)
    def _coefs():
        v0x = vdata_ref[0, 0:1, :]
        v0y = vdata_ref[0, 1:2, :]
        v1x = vdata_ref[1, 0:1, :]
        v1y = vdata_ref[1, 1:2, :]
        v2x = vdata_ref[2, 0:1, :]
        v2y = vdata_ref[2, 1:2, :]
        e0 = v1y - v2y
        e1 = v2x - v1x
        e2 = v2y - v0y
        e3 = v0x - v2x
        d = e0 * (v0x - v2x) + e1 * (v0y - v2y)
        absd = jnp.abs(d)
        valid = absd > 1e-8
        s = jnp.where(d >= 0.0, 1.0, -1.0)
        coef_s[0:1, :] = s * e0
        coef_s[1:2, :] = s * e1
        coef_s[2:3, :] = s * e2
        coef_s[3:4, :] = s * e3
        coef_s[4:5, :] = v2x
        coef_s[5:6, :] = v2y
        coef_s[6:7, :] = jnp.where(valid, absd, -1.0)
        coef_s[7:8, :] = jnp.where(valid, 1.0 / absd, 1.0)

    for k in range(TPG):
        tid = pid * TPG + k
        ty = tid // NTX
        tx = tid % NTX
        li = lax.broadcasted_iota(jnp.int32, (PB, 1), 0)
        gx = tx * TW + li % TW
        gy = ty * TH + li // TW
        pxs = (gx.astype(jnp.float32) + 0.5) / float(RES)
        pys = (gy.astype(jnp.float32) + 0.5) / float(RES)

        o = 0
        for w in CHUNKS:
            off = o

            @pl.when((off == 0) | (done_s[0] == 0))
            def _section(off=off, w=w, pxs=pxs, pys=pys):
                ku0 = coef_s[0:1, off:off + w]
                ku1 = coef_s[1:2, off:off + w]
                kv0 = coef_s[2:3, off:off + w]
                kv1 = coef_s[3:4, off:off + w]
                v2x = coef_s[4:5, off:off + w]
                v2y = coef_s[5:6, off:off + w]
                absd_x = coef_s[6:7, off:off + w]

                t0 = pxs - v2x
                t1 = pys - v2y
                su = ku0 * t0 + ku1 * t1
                sv = kv0 * t0 + kv1 * t1
                sw = absd_x - su - sv
                min3 = jnp.minimum(su, jnp.minimum(sv, sw))

                cols = lax.broadcasted_iota(jnp.int32, (PB, w), 1)
                localmin = jnp.min(
                    jnp.where(min3 >= 0.0, cols, BIG), axis=1, keepdims=True
                )
                rd = coef_s[7:8, off:off + w]
                if off == 0:
                    fidx_s[...] = localmin
                    done_s[0] = (jnp.max(localmin) < BIG).astype(jnp.int32)
                    ohf = jnp.where(cols == localmin, rd, 0.0)
                    m0 = ohf * su
                    m1 = ohf * sv
                    m2 = ohf * sw
                    acc = lax.dot(m0, a0_ref[off:off + w, :])
                    acc += lax.dot(m1, a1_ref[off:off + w, :])
                    acc += lax.dot(m2, a2_ref[off:off + w, :])
                    acc_s[...] = acc
                else:
                    fold = fidx_s[...]
                    upd = (localmin + off) < fold
                    fidx_s[...] = jnp.where(upd, localmin + off, fold)
                    done_s[0] = (
                        jnp.max(jnp.where(upd, 0, fold)) < BIG
                    ).astype(jnp.int32)

                    @pl.when(jnp.max(upd.astype(jnp.int32)) > 0)
                    def _interp():
                        ohf = jnp.where((cols == localmin) & upd, rd, 0.0)
                        m0 = ohf * su
                        m1 = ohf * sv
                        m2 = ohf * sw
                        acc = lax.dot(m0, a0_ref[off:off + w, :])
                        acc += lax.dot(m1, a1_ref[off:off + w, :])
                        acc += lax.dot(m2, a2_ref[off:off + w, :])
                        acc_s[...] += acc

            o += w

        out_ref[k * PB:(k + 1) * PB, :] = acc_s[...]


def _bake(vdata, a0, a1, a2, interpret=False):
    F = a0.shape[0]
    return pl.pallas_call(
        _raster_body,
        grid=(P // (PB * TPG),),
        in_specs=[
            pl.BlockSpec((3, 8, F), lambda b: (0, 0, 0)),
            pl.BlockSpec((F, 3), lambda b: (0, 0)),
            pl.BlockSpec((F, 3), lambda b: (0, 0)),
            pl.BlockSpec((F, 3), lambda b: (0, 0)),
        ],
        out_specs=pl.BlockSpec((PB * TPG, 3), lambda b: (b, 0)),
        out_shape=jax.ShapeDtypeStruct((P, 3), jnp.float32),
        scratch_shapes=[
            pltpu.VMEM((PB, 1), jnp.int32),
            pltpu.VMEM((PB, 3), jnp.float32),
            pltpu.SMEM((1,), jnp.int32),
            pltpu.VMEM((8, F), jnp.float32),
        ],
        compiler_params=pltpu.CompilerParams(
            dimension_semantics=("arbitrary",),
        ),
        interpret=interpret,
    )(vdata, a0, a1, a2)


def kernel(attr, uv, face_indices, bake_resolution, device):
    V = uv.shape[0]
    F = face_indices.shape[0]
    table = jnp.concatenate(
        [uv, attr, jnp.zeros((V, 123), jnp.float32)], axis=1
    )
    idx = face_indices.astype(jnp.int32).T.reshape(-1)
    g = _sc_gather(table, idx).reshape(3, F, 128)
    vdata = jnp.transpose(g[:, :, :8], (0, 2, 1))
    a0 = g[0, :, 2:5]
    a1 = g[1, :, 2:5]
    a2 = g[2, :, 2:5]
    out = _bake(vdata, a0, a1, a2)
    out = out.reshape(RES // TH, NTX, TH, TW, 3).transpose(0, 2, 1, 3, 4)
    return out.reshape(RES, RES, 3)

# --- scband reference (transcript-rebuilt; emitter-appended) ---
"""Pipeline reference for scband-texture-baker-33638183862548 (READ-ONLY COPY).

The authoritative reference and input builder live on the scoring server;
editing this copy changes nothing except your own understanding.
"""

import jax, jax.numpy as jnp
import numpy as np

NUM_V = 1024
NUM_F = 2048
RES = 256
CHUNK = 4096

def setup_inputs(seed: int = 0):
    key = jax.random.key(seed)
    k1, k2, k3 = jax.random.split(key, 3)
    attr = jax.random.normal(k1, (NUM_V, 3), dtype=jnp.float32)
    uv = jax.random.uniform(k2, (NUM_V, 2), dtype=jnp.float32)
    face_indices = jax.random.randint(k3, (NUM_F, 3), 0, NUM_V, dtype=jnp.int32)
    return {"attr": attr, "uv": uv, "face_indices": face_indices, "bake_resolution": RES, "device": 0}

def _rasterize(uv, face_indices, res):
    fi = face_indices.astype(jnp.int32)
    tri = uv[fi]  # [F,3,2]
    v0, v1, v2 = tri[:, 0], tri[:, 1], tri[:, 2]
    d = (v1[:, 1] - v2[:, 1]) * (v0[:, 0] - v2[:, 0]) + (v2[:, 0] - v1[:, 0]) * (v0[:, 1] - v2[:, 1])
    valid = jnp.abs(d) > 1e-8
    d_safe = jnp.where(valid, d, 1.0)
    xs = (jnp.arange(RES, dtype=jnp.float32) + 0.5) / jnp.asarray(res, jnp.float32)
    px, py = jnp.meshgrid(xs, xs, indexing="xy")
    pix = jnp.stack([px.reshape(-1), py.reshape(-1)], axis=-1)  # [P,2]
    n_pix = RES * RES
    n_chunks = max(1, n_pix // CHUNK)
    pix_c = pix.reshape(n_chunks, n_pix // n_chunks, 2)

    def pix_chunk(p):
        pxs = p[:, 0:1]
        pys = p[:, 1:2]
        u = ((v1[:, 1] - v2[:, 1])[None, :] * (pxs - v2[:, 0][None, :]) + (v2[:, 0] - v1[:, 0])[None, :] * (pys - v2[:, 1][None, :])) / d_safe[None, :]
        v = ((v2[:, 1] - v0[:, 1])[None, :] * (pxs - v2[:, 0][None, :]) + (v0[:, 0] - v2[:, 0])[None, :] * (pys - v2[:, 1][None, :])) / d_safe[None, :]
        w = 1.0 - u - v
        inside = valid[None, :] & (u >= 0.0) & (v >= 0.0) & (w >= 0.0)
        hit = jnp.any(inside, axis=1)
        fidx = jnp.argmax(inside, axis=1)
        bu = jnp.take_along_axis(u, fidx[:, None], axis=1)[:, 0]
        bv = jnp.take_along_axis(v, fidx[:, None], axis=1)[:, 0]
        bw = 1.0 - bu - bv
        return jnp.stack([
            jnp.where(hit, bu, 0.0),
            jnp.where(hit, bv, 0.0),
            jnp.where(hit, bw, 0.0),
            jnp.where(hit, fidx.astype(jnp.float32), -1.0),
        ], axis=-1)

    rast = jax.lax.map(pix_chunk, pix_c)
    return rast.reshape(RES, RES, 4)

def _interpolate(attr, face_indices, rast):
    fi = face_indices.astype(jnp.int32)
    res = rast.shape[0]
    r = rast.reshape(-1, 4)
    tidx = r[:, 3]
    mask = tidx >= 0.0
    t = jnp.where(mask, tidx, 0.0).astype(jnp.int32)
    verts = fi[t]          # [P,3] vertex ids
    a = attr[verts]        # [P,3,C] gathered attributes
    bary = r[:, :3]        # [P,3] barycentric weights
    out = jnp.einsum("pk,pkc->pc", bary, a)
    out = jnp.where(mask[:, None], out, 0.0)
    return out.reshape(res, res, 3)

def reference(attr, uv, face_indices, bake_resolution, device):
    rast = _rasterize(uv, face_indices, bake_resolution)
    return _interpolate(attr, face_indices, rast)

if __name__ == "__main__":
    import jax
    _d = setup_inputs()
    print(jax.jit(kernel)(*tuple(_d.values())))

</pallas_src>

<mosaic_0001>
#map = affine_map<(d0, d1) -> (0, 0)>
#map1 = affine_map<(d0, d1) -> (0)>
module attributes {stable_mosaic.version = 14 : i64} {
  func.func @k(%arg0: i32, %arg1: i32, %arg2: memref<1024x128xf32, #tpu.memory_space<hbm>>, %arg3: memref<6144xi32, #tpu.memory_space<hbm>>, %arg4: memref<6144x128xf32, #tpu.memory_space<hbm>>, %arg5: memref<2x96xi32, #tpu.memory_space<vmem>>, %arg6: memref<96x128xf32, #tpu.memory_space<vmem>>, %arg7: memref<!tpu.dma_semaphore, #tpu.memory_space<semaphore_mem>>) attributes {dimension_semantics = [#tpu.dimension_semantics<core_parallel>, #tpu.dimension_semantics<subcore_parallel>], iteration_bounds = array<i64: 2, 16>, scalar_prefetch = 0 : i64, scratch_operands = 3 : i64, tpu.core_type = #tpu.core_type<sc_vector_subcore>, window_params = [{transform_indices = #map}, {transform_indices = #map1}, {transform_indices = #map}]} {
    %mul3A = arith.constant 2 : i32
    %mul3A_0 = arith.muli %arg1, %mul3A : i32
    %add3A = arith.addi %mul3A_0, %arg0 : i32
    %mul3A_1 = arith.constant 192 : i32
    %mul3A_2 = arith.muli %add3A, %mul3A_1 : i32
    %add3A_3 = arith.constant 0 : i32
    %add3A_4 = arith.addi %mul3A_2, %add3A_3 : i32
    %run_scoped3A = arith.constant 0 : i32
    "tpu.region"() ({
      %run_scoped3A_38 = tpu.sem_alloc : memref<!tpu.dma_semaphore, #tpu.memory_space<semaphore_mem>>
      %dma_start3A_39 = arith.constant 0 : i32
      %dma_start3A_40 = tpu.memref_slice %arg5[%run_scoped3A, %dma_start3A_39] : memref<2x96xi32, #tpu.memory_space<vmem>> -> memref<1x96xi32, #tpu.memory_space<vmem>>
      %dma_start3A_41 = tpu.memref_squeeze %dma_start3A_40 : memref<1x96xi32, #tpu.memory_space<vmem>> -> memref<96xi32, #tpu.memory_space<vmem>>
      %dma_start3A_42 = tpu.memref_slice %arg3[%add3A_4] : memref<6144xi32, #tpu.memory_space<hbm>> -> memref<96xi32, #tpu.memory_space<hbm>>
      %dma_start3A_43 = arith.constant 0 : i32
      %dma_start3A_44 = tpu.memref_slice %arg5[%run_scoped3A, %dma_start3A_43] : memref<2x96xi32, #tpu.memory_space<vmem>> -> memref<1x96xi32, #tpu.memory_space<vmem>>
      %dma_start3A_45 = tpu.memref_squeeze %dma_start3A_44 : memref<1x96xi32, #tpu.memory_space<vmem>> -> memref<96xi32, #tpu.memory_space<vmem>>
      %dma_start3A_46 = tpu.memref_slice %arg3[%add3A_4] : memref<6144xi32, #tpu.memory_space<hbm>> -> memref<96xi32, #tpu.memory_space<hbm>>
      tpu.enqueue_dma source(%dma_start3A_46 : memref<96xi32, #tpu.memory_space<hbm>>) target(%dma_start3A_45 : memref<96xi32, #tpu.memory_space<vmem>>) target_semaphore(%run_scoped3A_38 : memref<!tpu.dma_semaphore, #tpu.memory_space<semaphore_mem>>)
      %dma_wait3A_47 = arith.constant 0 : i32
      %dma_wait3A_48 = tpu.memref_slice %arg5[%run_scoped3A, %dma_wait3A_47] : memref<2x96xi32, #tpu.memory_space<vmem>> -> memref<1x96xi32, #tpu.memory_space<vmem>>
      %dma_wait3A_49 = tpu.memref_squeeze %dma_wait3A_48 : memref<1x96xi32, #tpu.memory_space<vmem>> -> memref<96xi32, #tpu.memory_space<vmem>>
      %dma_wait3A_50 = tpu.memref_slice %arg3[%add3A_4] : memref<6144xi32, #tpu.memory_space<hbm>> -> memref<96xi32, #tpu.memory_space<hbm>>
      %dma_wait3A_51 = arith.constant 0 : i32
      %dma_wait3A_52 = tpu.memref_slice %arg5[%run_scoped3A, %dma_wait3A_51] : memref<2x96xi32, #tpu.memory_space<vmem>> -> memref<1x96xi32, #tpu.memory_space<vmem>>
      %dma_wait3A_53 = tpu.memref_squeeze %dma_wait3A_52 : memref<1x96xi32, #tpu.memory_space<vmem>> -> memref<96xi32, #tpu.memory_space<vmem>>
      %dma_wait3A_54 = tpu.memref_slice %arg3[%add3A_4] : memref<6144xi32, #tpu.memory_space<hbm>> -> memref<96xi32, #tpu.memory_space<hbm>>
      tpu.wait_dma2 semaphore(%run_scoped3A_38 : memref<!tpu.dma_semaphore, #tpu.memory_space<semaphore_mem>>) src(%dma_wait3A_54 : memref<96xi32, #tpu.memory_space<hbm>>) dst(%dma_wait3A_53 : memref<96xi32, #tpu.memory_space<vmem>>)
      tpu.yield
    }) : () -> ()
    %dma_start3A = arith.constant 0 : i32
    %dma_start3A_5 = arith.constant 0 : i32
    %dma_start3A_6 = tpu.memref_slice %arg5[%dma_start3A, %dma_start3A_5] : memref<2x96xi32, #tpu.memory_space<vmem>> -> memref<1x96xi32, #tpu.memory_space<vmem>>
    %dma_start3A_7 = tpu.memref_squeeze %dma_start3A_6 : memref<1x96xi32, #tpu.memory_space<vmem>> -> memref<96xi32, #tpu.memory_space<vmem>>
    %dma_start3A_8 = arith.constant 0 : i32
    %dma_start3A_9 = arith.constant 0 : i32
    %dma_start3A_10 = tpu.memref_slice %arg2[%dma_start3A_8, %dma_start3A_9] : memref<1024x128xf32, #tpu.memory_space<hbm>> -> memref<1024x128xf32, #tpu.memory_space<hbm>>
    tpu.enqueue_indirect_dma source(%dma_start3A_10 : memref<1024x128xf32, #tpu.memory_space<hbm>>) target(%arg6 : memref<96x128xf32, #tpu.memory_space<vmem>>) offsets(%dma_start3A_7 : memref<96xi32, #tpu.memory_space<vmem>>) semaphore(%arg7 : memref<!tpu.dma_semaphore, #tpu.memory_space<semaphore_mem>>)
    %dma_wait3A = arith.constant 0 : i32
    %dma_wait3A_11 = arith.constant 0 : i32
    %dma_wait3A_12 = tpu.memref_slice %arg5[%dma_wait3A, %dma_wait3A_11] : memref<2x96xi32, #tpu.memory_space<vmem>> -> memref<1x96xi32, #tpu.memory_space<vmem>>
    %dma_wait3A_13 = tpu.memref_squeeze %dma_wait3A_12 : memref<1x96xi32, #tpu.memory_space<vmem>> -> memref<96xi32, #tpu.memory_space<vmem>>
    %dma_wait3A_14 = arith.constant 0 : i32
    %dma_wait3A_15 = arith.constant 0 : i32
    %dma_wait3A_16 = tpu.memref_slice %arg2[%dma_wait3A_14, %dma_wait3A_15] : memref<1024x128xf32, #tpu.memory_space<hbm>> -> memref<1024x128xf32, #tpu.memory_space<hbm>>
    tpu.wait_indirect_dma semaphore(%arg7 : memref<!tpu.dma_semaphore, #tpu.memory_space<semaphore_mem>>) src(%dma_wait3A_16 : memref<1024x128xf32, #tpu.memory_space<hbm>>) dst(%arg6 : memref<96x128xf32, #tpu.memory_space<vmem>>)
    %add3A_17 = arith.constant 0 : i32
    %add3A_18 = arith.addi %mul3A_2, %add3A_17 : i32
    "tpu.region"() ({
      %run_scoped3A_38 = tpu.sem_alloc : memref<!tpu.dma_semaphore, #tpu.memory_space<semaphore_mem>>
      %dma_start3A_39 = arith.constant 0 : i32
      %dma_start3A_40 = tpu.memref_slice %arg4[%add3A_18, %dma_start3A_39] : memref<6144x128xf32, #tpu.memory_space<hbm>> -> memref<96x128xf32, #tpu.memory_space<hbm>>
      %dma_start3A_41 = arith.constant 0 : i32
      %dma_start3A_42 = tpu.memref_slice %arg4[%add3A_18, %dma_start3A_41] : memref<6144x128xf32, #tpu.memory_space<hbm>> -> memref<96x128xf32, #tpu.memory_space<hbm>>
      tpu.enqueue_dma source(%arg6 : memref<96x128xf32, #tpu.memory_space<vmem>>) target(%dma_start3A_42 : memref<96x128xf32, #tpu.memory_space<hbm>>) target_semaphore(%run_scoped3A_38 : memref<!tpu.dma_semaphore, #tpu.memory_space<semaphore_mem>>)
      %dma_wait3A_43 = arith.constant 0 : i32
      %dma_wait3A_44 = tpu.memref_slice %arg4[%add3A_18, %dma_wait3A_43] : memref<6144x128xf32, #tpu.memory_space<hbm>> -> memref<96x128xf32, #tpu.memory_space<hbm>>
      %dma_wait3A_45 = arith.constant 0 : i32
      %dma_wait3A_46 = tpu.memref_slice %arg4[%add3A_18, %dma_wait3A_45] : memref<6144x128xf32, #tpu.memory_space<hbm>> -> memref<96x128xf32, #tpu.memory_space<hbm>>
      tpu.wait_dma2 semaphore(%run_scoped3A_38 : memref<!tpu.dma_semaphore, #tpu.memory_space<semaphore_mem>>) src(%arg6 : memref<96x128xf32, #tpu.memory_space<vmem>>) dst(%dma_wait3A_46 : memref<96x128xf32, #tpu.memory_space<hbm>>)
      tpu.yield
    }) : () -> ()
    %add3A_19 = arith.constant 96 : i32
    %add3A_20 = arith.addi %mul3A_2, %add3A_19 : i32
    %run_scoped3A_21 = arith.constant 1 : i32
    "tpu.region"() ({
      %run_scoped3A_38 = tpu.sem_alloc : memref<!tpu.dma_semaphore, #tpu.memory_space<semaphore_mem>>
      %dma_start3A_39 = arith.constant 0 : i32
      %dma_start3A_40 = tpu.memref_slice %arg5[%run_scoped3A_21, %dma_start3A_39] : memref<2x96xi32, #tpu.memory_space<vmem>> -> memref<1x96xi32, #tpu.memory_space<vmem>>
      %dma_start3A_41 = tpu.memref_squeeze %dma_start3A_40 : memref<1x96xi32, #tpu.memory_space<vmem>> -> memref<96xi32, #tpu.memory_space<vmem>>
      %dma_start3A_42 = tpu.memref_slice %arg3[%add3A_20] : memref<6144xi32, #tpu.memory_space<hbm>> -> memref<96xi32, #tpu.memory_space<hbm>>
      %dma_start3A_43 = arith.constant 0 : i32
      %dma_start3A_44 = tpu.memref_slice %arg5[%run_scoped3A_21, %dma_start3A_43] : memref<2x96xi32, #tpu.memory_space<vmem>> -> memref<1x96xi32, #tpu.memory_space<vmem>>
      %dma_start3A_45 = tpu.memref_squeeze %dma_start3A_44 : memref<1x96xi32, #tpu.memory_space<vmem>> -> memref<96xi32, #tpu.memory_space<vmem>>
      %dma_start3A_46 = tpu.memref_slice %arg3[%add3A_20] : memref<6144xi32, #tpu.memory_space<hbm>> -> memref<96xi32, #tpu.memory_space<hbm>>
      tpu.enqueue_dma source(%dma_start3A_46 : memref<96xi32, #tpu.memory_space<hbm>>) target(%dma_start3A_45 : memref<96xi32, #tpu.memory_space<vmem>>) target_semaphore(%run_scoped3A_38 : memref<!tpu.dma_semaphore, #tpu.memory_space<semaphore_mem>>)
      %dma_wait3A_47 = arith.constant 0 : i32
      %dma_wait3A_48 = tpu.memref_slice %arg5[%run_scoped3A_21, %dma_wait3A_47] : memref<2x96xi32, #tpu.memory_space<vmem>> -> memref<1x96xi32, #tpu.memory_space<vmem>>
      %dma_wait3A_49 = tpu.memref_squeeze %dma_wait3A_48 : memref<1x96xi32, #tpu.memory_space<vmem>> -> memref<96xi32, #tpu.memory_space<vmem>>
      %dma_wait3A_50 = tpu.memref_slice %arg3[%add3A_20] : memref<6144xi32, #tpu.memory_space<hbm>> -> memref<96xi32, #tpu.memory_space<hbm>>
      %dma_wait3A_51 = arith.constant 0 : i32
      %dma_wait3A_52 = tpu.memref_slice %arg5[%run_scoped3A_21, %dma_wait3A_51] : memref<2x96xi32, #tpu.memory_space<vmem>> -> memref<1x96xi32, #tpu.memory_space<vmem>>
      %dma_wait3A_53 = tpu.memref_squeeze %dma_wait3A_52 : memref<1x96xi32, #tpu.memory_space<vmem>> -> memref<96xi32, #tpu.memory_space<vmem>>
      %dma_wait3A_54 = tpu.memref_slice %arg3[%add3A_20] : memref<6144xi32, #tpu.memory_space<hbm>> -> memref<96xi32, #tpu.memory_space<hbm>>
      tpu.wait_dma2 semaphore(%run_scoped3A_38 : memref<!tpu.dma_semaphore, #tpu.memory_space<semaphore_mem>>) src(%dma_wait3A_54 : memref<96xi32, #tpu.memory_space<hbm>>) dst(%dma_wait3A_53 : memref<96xi32, #tpu.memory_space<vmem>>)
      tpu.yield
    }) : () -> ()
    %dma_start3A_22 = arith.constant 1 : i32
    %dma_start3A_23 = arith.constant 0 : i32
    %dma_start3A_24 = tpu.memref_slice %arg5[%dma_start3A_22, %dma_start3A_23] : memref<2x96xi32, #tpu.memory_space<vmem>> -> memref<1x96xi32, #tpu.memory_space<vmem>>
    %dma_start3A_25 = tpu.memref_squeeze %dma_start3A_24 : memref<1x96xi32, #tpu.memory_space<vmem>> -> memref<96xi32, #tpu.memory_space<vmem>>
    %dma_start3A_26 = arith.constant 0 : i32
    %dma_start3A_27 = arith.constant 0 : i32
    %dma_start3A_28 = tpu.memref_slice %arg2[%dma_start3A_26, %dma_start3A_27] : memref<1024x128xf32, #tpu.memory_space<hbm>> -> memref<1024x128xf32, #tpu.memory_space<hbm>>
    tpu.enqueue_indirect_dma source(%dma_start3A_28 : memref<1024x128xf32, #tpu.memory_space<hbm>>) target(%arg6 : memref<96x128xf32, #tpu.memory_space<vmem>>) offsets(%dma_start3A_25 : memref<96xi32, #tpu.memory_space<vmem>>) semaphore(%arg7 : memref<!tpu.dma_semaphore, #tpu.memory_space<semaphore_mem>>)
    %dma_wait3A_29 = arith.constant 1 : i32
    %dma_wait3A_30 = arith.constant 0 : i32
    %dma_wait3A_31 = tpu.memref_slice %arg5[%dma_wait3A_29, %dma_wait3A_30] : memref<2x96xi32, #tpu.memory_space<vmem>> -> memref<1x96xi32, #tpu.memory_space<vmem>>
    %dma_wait3A_32 = tpu.memref_squeeze %dma_wait3A_31 : memref<1x96xi32, #tpu.memory_space<vmem>> -> memref<96xi32, #tpu.memory_space<vmem>>
    %dma_wait3A_33 = arith.constant 0 : i32
    %dma_wait3A_34 = arith.constant 0 : i32
    %dma_wait3A_35 = tpu.memref_slice %arg2[%dma_wait3A_33, %dma_wait3A_34] : memref<1024x128xf32, #tpu.memory_space<hbm>> -> memref<1024x128xf32, #tpu.memory_space<hbm>>
    tpu.wait_indirect_dma semaphore(%arg7 : memref<!tpu.dma_semaphore, #tpu.memory_space<semaphore_mem>>) src(%dma_wait3A_35 : memref<1024x128xf32, #tpu.memory_space<hbm>>) dst(%arg6 : memref<96x128xf32, #tpu.memory_space<vmem>>)
    %add3A_36 = arith.constant 96 : i32
    %add3A_37 = arith.addi %mul3A_2, %add3A_36 : i32
    "tpu.region"() ({
      %run_scoped3A_38 = tpu.sem_alloc : memref<!tpu.dma_semaphore, #tpu.memory_space<semaphore_mem>>
      %dma_start3A_39 = arith.constant 0 : i32
      %dma_start3A_40 = tpu.memref_slice %arg4[%add3A_37, %dma_start3A_39] : memref<6144x128xf32, #tpu.memory_space<hbm>> -> memref<96x128xf32, #tpu.memory_space<hbm>>
      %dma_start3A_41 = arith.constant 0 : i32
      %dma_start3A_42 = tpu.memref_slice %arg4[%add3A_37, %dma_start3A_41] : memref<6144x128xf32, #tpu.memory_space<hbm>> -> memref<96x128xf32, #tpu.memory_space<hbm>>
      tpu.enqueue_dma source(%arg6 : memref<96x128xf32, #tpu.memory_space<vmem>>) target(%dma_start3A_42 : memref<96x128xf32, #tpu.memory_space<hbm>>) target_semaphore(%run_scoped3A_38 : memref<!tpu.dma_semaphore, #tpu.memory_space<semaphore_mem>>)
      %dma_wait3A_43 = arith.constant 0 : i32
      %dma_wait3A_44 = tpu.memref_slice %arg4[%add3A_37, %dma_wait3A_43] : memref<6144x128xf32, #tpu.memory_space<hbm>> -> memref<96x128xf32, #tpu.memory_space<hbm>>
      %dma_wait3A_45 = arith.constant 0 : i32
      %dma_wait3A_46 = tpu.memref_slice %arg4[%add3A_37, %dma_wait3A_45] : memref<6144x128xf32, #tpu.memory_space<hbm>> -> memref<96x128xf32, #tpu.memory_space<hbm>>
      tpu.wait_dma2 semaphore(%run_scoped3A_38 : memref<!tpu.dma_semaphore, #tpu.memory_space<semaphore_mem>>) src(%arg6 : memref<96x128xf32, #tpu.memory_space<vmem>>) dst(%dma_wait3A_46 : memref<96x128xf32, #tpu.memory_space<hbm>>)
      tpu.yield
    }) : () -> ()
    return
  }
}

module attributes {stable_mosaic.version = 14 : i64} {
  func.func @_raster_body(%arg0: i32, %arg1: memref<3x8x2048xf32, #tpu.memory_space<vmem>>, %arg2: memref<2048x3xf32, #tpu.memory_space<vmem>>, %arg3: memref<2048x3xf32, #tpu.memory_space<vmem>>, %arg4: memref<2048x3xf32, #tpu.memory_space<vmem>>, %arg5: memref<1024x3xf32, #tpu.memory_space<vmem>>, %arg6: memref<256x1xi32, #tpu.memory_space<vmem>>, %arg7: memref<256x3xf32, #tpu.memory_space<vmem>>, %arg8: memref<1xi32, #tpu.memory_space<smem>>, %arg9: memref<8x2048xf32, #tpu.memory_space<vmem>>) attributes {dimension_semantics = [#tpu.dimension_semantics<arbitrary>], iteration_bounds = array<i64: 64>, scalar_prefetch = 0 : i64, scratch_operands = 4 : i64, tpu.core_type = #tpu.core_type<tc>, window_params = [{pipeline_mode = #tpu.pipeline_mode<synchronous>, transform_indices = @transform_0, window_bounds = array<i64: 3, 8, 2048>}, {pipeline_mode = #tpu.pipeline_mode<synchronous>, transform_indices = @transform_1, window_bounds = array<i64: 2048, 3>}, {pipeline_mode = #tpu.pipeline_mode<synchronous>, transform_indices = @transform_2, window_bounds = array<i64: 2048, 3>}, {pipeline_mode = #tpu.pipeline_mode<synchronous>, transform_indices = @transform_3, window_bounds = array<i64: 2048, 3>}, {transform_indices = @transform_4, window_bounds = array<i64: 1024, 3>}]} {
    %eq3A = arith.constant 0 : i32
    %eq3A_0 = arith.cmpi eq, %arg0, %eq3A : i32
    %convert_element_type3A = arith.extui %eq3A_0 : i1 to i32
    %cond3A = arith.constant 0 : i32
    %cond3A_1 = arith.cmpi ne, %convert_element_type3A, %cond3A : i32
    scf.if %cond3A_1 {
      %get3A_563 = arith.constant 0 : index
      %get3A_564 = arith.constant 0 : index
      %get3A_565 = arith.constant 0 : index
      %get3A_566 = vector.load %arg1[%get3A_563, %get3A_564, %get3A_565] : memref<3x8x2048xf32, #tpu.memory_space<vmem>>, vector<1x1x2048xf32>
      %get3A_567 = vector.shape_cast %get3A_566 : vector<1x1x2048xf32> to vector<1x2048xf32>
      %get3A_568 = arith.constant 0 : index
      %get3A_569 = arith.constant 1 : index
      %get3A_570 = arith.constant 0 : index
      %get3A_571 = vector.load %arg1[%get3A_568, %get3A_569, %get3A_570] : memref<3x8x2048xf32, #tpu.memory_space<vmem>>, vector<1x1x2048xf32>
      %get3A_572 = vector.shape_cast %get3A_571 : vector<1x1x2048xf32> to vector<1x2048xf32>
      %get3A_573 = arith.constant 1 : index
      %get3A_574 = arith.constant 0 : index
      %get3A_575 = arith.constant 0 : index
      %get3A_576 = vector.load %arg1[%get3A_573, %get3A_574, %get3A_575] : memref<3x8x2048xf32, #tpu.memory_space<vmem>>, vector<1x1x2048xf32>
      %get3A_577 = vector.shape_cast %get3A_576 : vector<1x1x2048xf32> to vector<1x2048xf32>
      %get3A_578 = arith.constant 1 : index
      %get3A_579 = arith.constant 1 : index
      %get3A_580 = arith.constant 0 : index
      %get3A_581 = vector.load %arg1[%get3A_578, %get3A_579, %get3A_580] : memref<3x8x2048xf32, #tpu.memory_space<vmem>>, vector<1x1x2048xf32>
      %get3A_582 = vector.shape_cast %get3A_581 : vector<1x1x2048xf32> to vector<1x2048xf32>
      %get3A_583 = arith.constant 2 : index
      %get3A_584 = arith.constant 0 : index
      %get3A_585 = arith.constant 0 : index
      %get3A_586 = vector.load %arg1[%get3A_583, %get3A_584, %get3A_585] : memref<3x8x2048xf32, #tpu.memory_space<vmem>>, vector<1x1x2048xf32>
      %get3A_587 = vector.shape_cast %get3A_586 : vector<1x1x2048xf32> to vector<1x2048xf32>
      %get3A_588 = arith.constant 2 : index
      %get3A_589 = arith.constant 1 : index
      %get3A_590 = arith.constant 0 : index
      %get3A_591 = vector.load %arg1[%get3A_588, %get3A_589, %get3A_590] : memref<3x8x2048xf32, #tpu.memory_space<vmem>>, vector<1x1x2048xf32>
      %get3A_592 = vector.shape_cast %get3A_591 : vector<1x1x2048xf32> to vector<1x2048xf32>
      %sub3A_593 = arith.subf %get3A_582, %get3A_592 : vector<1x2048xf32>
      %sub3A_594 = arith.subf %get3A_587, %get3A_577 : vector<1x2048xf32>
      %sub3A_595 = arith.subf %get3A_592, %get3A_572 : vector<1x2048xf32>
      %sub3A_596 = arith.subf %get3A_567, %get3A_587 : vector<1x2048xf32>
      %sub3A_597 = arith.subf %get3A_567, %get3A_587 : vector<1x2048xf32>
      %mul3A_598 = arith.mulf %sub3A_593, %sub3A_597 : vector<1x2048xf32>
      %sub3A_599 = arith.subf %get3A_572, %get3A_592 : vector<1x2048xf32>
      %mul3A_600 = arith.mulf %sub3A_594, %sub3A_599 : vector<1x2048xf32>
      %add3A_601 = arith.addf %mul3A_598, %mul3A_600 : vector<1x2048xf32>
      %abs3A = math.absf %add3A_601 : vector<1x2048xf32>
      %gt3A = arith.constant 9.99999993E-9 : f32
      %gt3A_602 = vector.broadcast %gt3A : f32 to vector<1x2048xf32>
      %gt3A_603 = arith.cmpf ogt, %abs3A, %gt3A_602 : vector<1x2048xf32>
      %ge3A = arith.constant 0.000000e+00 : f32
      %ge3A_604 = vector.broadcast %ge3A : f32 to vector<1x2048xf32>
      %ge3A_605 = arith.cmpf oge, %add3A_601, %ge3A_604 : vector<1x2048xf32>
      %jit3A_606 = arith.constant 1.000000e+00 : f32
      %jit3A_607 = arith.constant -1.000000e+00 : f32
      %broadcast_in_dim3A = vector.broadcast %jit3A_606 : f32 to vector<1x2048xf32>
      %broadcast_in_dim3A_608 = vector.broadcast %jit3A_607 : f32 to vector<1x2048xf32>
      %select_n3A_609 = arith.select %ge3A_605, %broadcast_in_dim3A, %broadcast_in_dim3A_608 : vector<1x2048xi1>, vector<1x2048xf32>
      %mul3A_610 = arith.mulf %select_n3A_609, %sub3A_593 : vector<1x2048xf32>
      %swap3A_611 = arith.constant 0 : index
      %swap3A_612 = arith.constant 0 : index
      %swap3A_613 = vector.load %arg9[%swap3A_611, %swap3A_612] : memref<8x2048xf32, #tpu.memory_space<vmem>>, vector<1x2048xf32>
      tpu.vector_store %arg9[%swap3A_611, %swap3A_612], %mul3A_610 {strides = array<i32>} : memref<8x2048xf32, #tpu.memory_space<vmem>>, vector<1x2048xf32>,
      %mul3A_614 = arith.mulf %select_n3A_609, %sub3A_594 : vector<1x2048xf32>
      %swap3A_615 = arith.constant 1 : index
      %swap3A_616 = arith.constant 0 : index
      %swap3A_617 = vector.load %arg9[%swap3A_615, %swap3A_616] : memref<8x2048xf32, #tpu.memory_space<vmem>>, vector<1x2048xf32>
      tpu.vector_store %arg9[%swap3A_615, %swap3A_616], %mul3A_614 {strides = array<i32>} : memref<8x2048xf32, #tpu.memory_space<vmem>>, vector<1x2048xf32>,
      %mul3A_618 = arith.mulf %select_n3A_609, %sub3A_595 : vector<1x2048xf32>
      %swap3A_619 = arith.constant 2 : index
      %swap3A_620 = arith.constant 0 : index
      %swap3A_621 = vector.load %arg9[%swap3A_619, %swap3A_620] : memref<8x2048xf32, #tpu.memory_space<vmem>>, vector<1x2048xf32>
      tpu.vector_store %arg9[%swap3A_619, %swap3A_620], %mul3A_618 {strides = array<i32>} : memref<8x2048xf32, #tpu.memory_space<vmem>>, vector<1x2048xf32>,
      %mul3A_622 = arith.mulf %select_n3A_609, %sub3A_596 : vector<1x2048xf32>
      %swap3A_623 = arith.constant 3 : index
      %swap3A_624 = arith.constant 0 : index
      %swap3A_625 = vector.load %arg9[%swap3A_623, %swap3A_624] : memref<8x2048xf32, #tpu.memory_space<vmem>>, vector<1x2048xf32>
      tpu.vector_store %arg9[%swap3A_623, %swap3A_624], %mul3A_622 {strides = array<i32>} : memref<8x2048xf32, #tpu.memory_space<vmem>>, vector<1x2048xf32>,
      %swap3A_626 = arith.constant 4 : index
      %swap3A_627 = arith.constant 0 : index
      %swap3A_628 = vector.load %arg9[%swap3A_626, %swap3A_627] : memref<8x2048xf32, #tpu.memory_space<vmem>>, vector<1x2048xf32>
      tpu.vector_store %arg9[%swap3A_626, %swap3A_627], %get3A_587 {strides = array<i32>} : memref<8x2048xf32, #tpu.memory_space<vmem>>, vector<1x2048xf32>,
      %swap3A_629 = arith.constant 5 : index
      %swap3A_630 = arith.constant 0 : index
      %swap3A_631 = vector.load %arg9[%swap3A_629, %swap3A_630] : memref<8x2048xf32, #tpu.memory_space<vmem>>, vector<1x2048xf32>
      tpu.vector_store %arg9[%swap3A_629, %swap3A_630], %get3A_592 {strides = array<i32>} : memref<8x2048xf32, #tpu.memory_space<vmem>>, vector<1x2048xf32>,
      %jit3A_632 = arith.constant -1.000000e+00 : f32
      %broadcast_in_dim3A_633 = vector.broadcast %jit3A_632 : f32 to vector<1x2048xf32>
      %select_n3A_634 = arith.select %gt3A_603, %abs3A, %broadcast_in_dim3A_633 : vector<1x2048xi1>, vector<1x2048xf32>
      %swap3A_635 = arith.constant 6 : index
      %swap3A_636 = arith.constant 0 : index
      %swap3A_637 = vector.load %arg9[%swap3A_635, %swap3A_636] : memref<8x2048xf32, #tpu.memory_space<vmem>>, vector<1x2048xf32>
      tpu.vector_store %arg9[%swap3A_635, %swap3A_636], %select_n3A_634 {strides = array<i32>} : memref<8x2048xf32, #tpu.memory_space<vmem>>, vector<1x2048xf32>,
      %div3A_638 = arith.constant 1.000000e+00 : f32
      %div3A_639 = vector.broadcast %div3A_638 : f32 to vector<1x2048xf32>
      %div3A_640 = arith.divf %div3A_639, %abs3A : vector<1x2048xf32>
      %jit3A_641 = arith.constant 1.000000e+00 : f32
      %broadcast_in_dim3A_642 = vector.broadcast %jit3A_641 : f32 to vector<1x2048xf32>
      %select_n3A_643 = arith.select %gt3A_603, %div3A_640, %broadcast_in_dim3A_642 : vector<1x2048xi1>, vector<1x2048xf32>
      %swap3A_644 = arith.constant 7 : index
      %swap3A_645 = arith.constant 0 : index
      %swap3A_646 = vector.load %arg9[%swap3A_644, %swap3A_645] : memref<8x2048xf32, #tpu.memory_space<vmem>>, vector<1x2048xf32>
      tpu.vector_store %arg9[%swap3A_644, %swap3A_645], %select_n3A_643 {strides = array<i32>} : memref<8x2048xf32, #tpu.memory_space<vmem>>, vector<1x2048xf32>,
    } else {
    }
    %mul3A = arith.constant 4 : i32
    %mul3A_2 = arith.muli %arg0, %mul3A : i32
    %add3A = arith.constant 0 : i32
    %add3A_3 = arith.addi %mul3A_2, %add3A : i32
    %jit3A = arith.constant 16 : i32
    %div3A = arith.divsi %add3A_3, %jit3A : i32
    %sign3A = arith.constant 0 : i32
    %sign3A_4 = arith.cmpi sgt, %add3A_3, %sign3A : i32
    %sign3A_5 = arith.extui %sign3A_4 : i1 to i32
    %sign3A_6 = arith.constant 0 : i32
    %sign3A_7 = arith.cmpi slt, %add3A_3, %sign3A_6 : i32
    %sign3A_8 = arith.extui %sign3A_7 : i1 to i32
    %sign3A_9 = arith.subi %sign3A_5, %sign3A_8 : i32
    %sign3A_10 = arith.constant 0 : i32
    %sign3A_11 = arith.cmpi sgt, %jit3A, %sign3A_10 : i32
    %sign3A_12 = arith.extui %sign3A_11 : i1 to i32
    %sign3A_13 = arith.constant 0 : i32
    %sign3A_14 = arith.cmpi slt, %jit3A, %sign3A_13 : i32
    %sign3A_15 = arith.extui %sign3A_14 : i1 to i32
    %sign3A_16 = arith.subi %sign3A_12, %sign3A_15 : i32
    %ne3A = arith.cmpi ne, %sign3A_9, %sign3A_16 : i32
    %rem3A = arith.remsi %add3A_3, %jit3A : i32
    %ne3A_17 = arith.constant 0 : i32
    %ne3A_18 = arith.cmpi ne, %rem3A, %ne3A_17 : i32
    %and3A = arith.andi %ne3A, %ne3A_18 : i1
    %sub3A = arith.constant 1 : i32
    %sub3A_19 = arith.subi %div3A, %sub3A : i32
    %select_n3A = arith.select %and3A, %sub3A_19, %div3A : i32
    %jit3A_20 = arith.constant 16 : i32
    %eq3A_21 = arith.constant 0 : i32
    %eq3A_22 = arith.cmpi eq, %jit3A_20, %eq3A_21 : i32
    %jit3A_23 = arith.constant 1 : i32
    %select_n3A_24 = arith.select %eq3A_22, %jit3A_23, %jit3A_20 : i32
    %rem3A_25 = arith.remsi %add3A_3, %select_n3A_24 : i32
    %ne3A_26 = arith.constant 0 : i32
    %ne3A_27 = arith.cmpi ne, %rem3A_25, %ne3A_26 : i32
    %lt3A = arith.constant 0 : i32
    %lt3A_28 = arith.cmpi slt, %rem3A_25, %lt3A : i32
    %lt3A_29 = arith.constant 0 : i32
    %lt3A_30 = arith.cmpi slt, %select_n3A_24, %lt3A_29 : i32
    %ne3A_31 = arith.xori %lt3A_28, %lt3A_30 : i1
    %and3A_32 = arith.andi %ne3A_31, %ne3A_27 : i1
    %add3A_33 = arith.addi %rem3A_25, %select_n3A_24 : i32
    %select_n3A_34 = arith.select %and3A_32, %add3A_33, %rem3A_25 : i32
    %iota3A = tpu.iota {dimensions = array<i32: 0>} : vector<256x1xi32>
    %mul3A_35 = arith.constant 16 : i32
    %mul3A_36 = arith.muli %select_n3A_34, %mul3A_35 : i32
    %jit3A_37 = arith.constant 16 : i32
    %eq3A_38 = arith.constant 0 : i32
    %eq3A_39 = arith.cmpi eq, %jit3A_37, %eq3A_38 : i32
    %jit3A_40 = arith.constant 1 : i32
    %select_n3A_41 = arith.select %eq3A_39, %jit3A_40, %jit3A_37 : i32
    %rem3A_42 = vector.broadcast %select_n3A_41 : i32 to vector<256x1xi32>
    %rem3A_43 = arith.remsi %iota3A, %rem3A_42 : vector<256x1xi32>
    %ne3A_44 = arith.constant 0 : i32
    %ne3A_45 = vector.broadcast %ne3A_44 : i32 to vector<256x1xi32>
    %ne3A_46 = arith.cmpi ne, %rem3A_43, %ne3A_45 : vector<256x1xi32>
    %lt3A_47 = arith.constant 0 : i32
    %lt3A_48 = vector.broadcast %lt3A_47 : i32 to vector<256x1xi32>
    %lt3A_49 = arith.cmpi slt, %rem3A_43, %lt3A_48 : vector<256x1xi32>
    %lt3A_50 = arith.constant 0 : i32
    %lt3A_51 = arith.cmpi slt, %select_n3A_41, %lt3A_50 : i32
    %ne3A_52 = vector.broadcast %lt3A_51 : i1 to vector<256x1xi1>
    %ne3A_53 = vector.broadcast %ne3A_52 : vector<256x1xi1> to vector<256x1xi1>
    %ne3A_54 = arith.xori %lt3A_49, %ne3A_53 : vector<256x1xi1>
    %and3A_55 = arith.andi %ne3A_54, %ne3A_46 : vector<256x1xi1>
    %add3A_56 = vector.broadcast %select_n3A_41 : i32 to vector<256x1xi32>
    %add3A_57 = arith.addi %rem3A_43, %add3A_56 : vector<256x1xi32>
    %select_n3A_58 = arith.select %and3A_55, %add3A_57, %rem3A_43 : vector<256x1xi1>, vector<256x1xi32>
    %add3A_59 = vector.broadcast %mul3A_36 : i32 to vector<256x1xi32>
    %add3A_60 = arith.addi %add3A_59, %select_n3A_58 : vector<256x1xi32>
    %mul3A_61 = arith.constant 16 : i32
    %mul3A_62 = arith.muli %select_n3A, %mul3A_61 : i32
    %jit3A_63 = arith.constant 16 : i32
    %div3A_64 = vector.broadcast %jit3A_63 : i32 to vector<256x1xi32>
    %div3A_65 = arith.divsi %iota3A, %div3A_64 : vector<256x1xi32>
    %sign3A_66 = arith.constant 0 : i32
    %sign3A_67 = vector.broadcast %sign3A_66 : i32 to vector<256x1xi32>
    %sign3A_68 = arith.cmpi sgt, %iota3A, %sign3A_67 : vector<256x1xi32>
    %sign3A_69 = arith.extui %sign3A_68 : vector<256x1xi1> to vector<256x1xi32>
    %sign3A_70 = arith.constant 0 : i32
    %sign3A_71 = vector.broadcast %sign3A_70 : i32 to vector<256x1xi32>
    %sign3A_72 = arith.cmpi slt, %iota3A, %sign3A_71 : vector<256x1xi32>
    %sign3A_73 = arith.extui %sign3A_72 : vector<256x1xi1> to vector<256x1xi32>
    %sign3A_74 = arith.subi %sign3A_69, %sign3A_73 : vector<256x1xi32>
    %sign3A_75 = arith.constant 0 : i32
    %sign3A_76 = arith.cmpi sgt, %jit3A_63, %sign3A_75 : i32
    %sign3A_77 = arith.extui %sign3A_76 : i1 to i32
    %sign3A_78 = arith.constant 0 : i32
    %sign3A_79 = arith.cmpi slt, %jit3A_63, %sign3A_78 : i32
    %sign3A_80 = arith.extui %sign3A_79 : i1 to i32
    %sign3A_81 = arith.subi %sign3A_77, %sign3A_80 : i32
    %ne3A_82 = vector.broadcast %sign3A_81 : i32 to vector<256x1xi32>
    %ne3A_83 = arith.cmpi ne, %sign3A_74, %ne3A_82 : vector<256x1xi32>
    %rem3A_84 = vector.broadcast %jit3A_63 : i32 to vector<256x1xi32>
    %rem3A_85 = arith.remsi %iota3A, %rem3A_84 : vector<256x1xi32>
    %ne3A_86 = arith.constant 0 : i32
    %ne3A_87 = vector.broadcast %ne3A_86 : i32 to vector<256x1xi32>
    %ne3A_88 = arith.cmpi ne, %rem3A_85, %ne3A_87 : vector<256x1xi32>
    %and3A_89 = arith.andi %ne3A_83, %ne3A_88 : vector<256x1xi1>
    %sub3A_90 = arith.constant 1 : i32
    %sub3A_91 = vector.broadcast %sub3A_90 : i32 to vector<256x1xi32>
    %sub3A_92 = arith.subi %div3A_65, %sub3A_91 : vector<256x1xi32>
    %select_n3A_93 = arith.select %and3A_89, %sub3A_92, %div3A_65 : vector<256x1xi1>, vector<256x1xi32>
    %add3A_94 = vector.broadcast %mul3A_62 : i32 to vector<256x1xi32>
    %add3A_95 = arith.addi %add3A_94, %select_n3A_93 : vector<256x1xi32>
    %convert_element_type3A_96 = arith.sitofp %add3A_60 : vector<256x1xi32> to vector<256x1xf32>
    %add3A_97 = arith.constant 5.000000e-01 : f32
    %add3A_98 = vector.broadcast %add3A_97 : f32 to vector<256x1xf32>
    %add3A_99 = arith.addf %convert_element_type3A_96, %add3A_98 : vector<256x1xf32>
    %div3A_100 = arith.constant 2.560000e+02 : f32
    %div3A_101 = vector.broadcast %div3A_100 : f32 to vector<256x1xf32>
    %div3A_102 = arith.divf %add3A_99, %div3A_101 : vector<256x1xf32>
    %convert_element_type3A_103 = arith.sitofp %add3A_95 : vector<256x1xi32> to vector<256x1xf32>
    %add3A_104 = arith.constant 5.000000e-01 : f32
    %add3A_105 = vector.broadcast %add3A_104 : f32 to vector<256x1xf32>
    %add3A_106 = arith.addf %convert_element_type3A_103, %add3A_105 : vector<256x1xf32>
    %div3A_107 = arith.constant 2.560000e+02 : f32
    %div3A_108 = vector.broadcast %div3A_107 : f32 to vector<256x1xf32>
    %div3A_109 = arith.divf %add3A_106, %div3A_108 : vector<256x1xf32>
    %get3A = arith.constant 0 : index
    %get3A_110 = memref.load %arg8[%get3A] : memref<1xi32, #tpu.memory_space<smem>>
    %eq3A_111 = arith.constant 0 : i32
    %eq3A_112 = arith.cmpi eq, %get3A_110, %eq3A_111 : i32
    %or3A = arith.constant true
    %or3A_113 = arith.ori %or3A, %eq3A_112 : i1
    %convert_element_type3A_114 = arith.extui %or3A_113 : i1 to i32
    %cond3A_115 = arith.constant 0 : i32
    %cond3A_116 = arith.cmpi ne, %convert_element_type3A_114, %cond3A_115 : i32
    scf.if %cond3A_116 {
      %get3A_563 = arith.constant 0 : index
      %get3A_564 = arith.constant 0 : index
      %get3A_565 = vector.load %arg9[%get3A_563, %get3A_564] : memref<8x2048xf32, #tpu.memory_space<vmem>>, vector<1x128xf32>
      %get3A_566 = arith.constant 1 : index
      %get3A_567 = arith.constant 0 : index
      %get3A_568 = vector.load %arg9[%get3A_566, %get3A_567] : memref<8x2048xf32, #tpu.memory_space<vmem>>, vector<1x128xf32>
      %get3A_569 = arith.constant 2 : index
      %get3A_570 = arith.constant 0 : index
      %get3A_571 = vector.load %arg9[%get3A_569, %get3A_570] : memref<8x2048xf32, #tpu.memory_space<vmem>>, vector<1x128xf32>
      %get3A_572 = arith.constant 3 : index
      %get3A_573 = arith.constant 0 : index
      %get3A_574 = vector.load %arg9[%get3A_572, %get3A_573] : memref<8x2048xf32, #tpu.memory_space<vmem>>, vector<1x128xf32>
      %get3A_575 = arith.constant 4 : index
      %get3A_576 = arith.constant 0 : index
      %get3A_577 = vector.load %arg9[%get3A_575, %get3A_576] : memref<8x2048xf32, #tpu.memory_space<vmem>>, vector<1x128xf32>
      %get3A_578 = arith.constant 5 : index
      %get3A_579 = arith.constant 0 : index
      %get3A_580 = vector.load %arg9[%get3A_578, %get3A_579] : memref<8x2048xf32, #tpu.memory_space<vmem>>, vector<1x128xf32>
      %get3A_581 = arith.constant 6 : index
      %get3A_582 = arith.constant 0 : index
      %get3A_583 = vector.load %arg9[%get3A_581, %get3A_582] : memref<8x2048xf32, #tpu.memory_space<vmem>>, vector<1x128xf32>
      %sub3A_584 = vector.broadcast %div3A_102 : vector<256x1xf32> to vector<256x128xf32>
      %sub3A_585 = vector.broadcast %get3A_577 : vector<1x128xf32> to vector<256x128xf32>
      %sub3A_586 = arith.subf %sub3A_584, %sub3A_585 : vector<256x128xf32>
      %sub3A_587 = vector.broadcast %div3A_109 : vector<256x1xf32> to vector<256x128xf32>
      %sub3A_588 = vector.broadcast %get3A_580 : vector<1x128xf32> to vector<256x128xf32>
      %sub3A_589 = arith.subf %sub3A_587, %sub3A_588 : vector<256x128xf32>
      %mul3A_590 = vector.broadcast %get3A_565 : vector<1x128xf32> to vector<256x128xf32>
      %mul3A_591 = arith.mulf %mul3A_590, %sub3A_586 : vector<256x128xf32>
      %mul3A_592 = vector.broadcast %get3A_568 : vector<1x128xf32> to vector<256x128xf32>
      %mul3A_593 = arith.mulf %mul3A_592, %sub3A_589 : vector<256x128xf32>
      %add3A_594 = arith.addf %mul3A_591, %mul3A_593 : vector<256x128xf32>
      %mul3A_595 = vector.broadcast %get3A_571 : vector<1x128xf32> to vector<256x128xf32>
      %mul3A_596 = arith.mulf %mul3A_595, %sub3A_586 : vector<256x128xf32>
      %mul3A_597 = vector.broadcast %get3A_574 : vector<1x128xf32> to vector<256x128xf32>
      %mul3A_598 = arith.mulf %mul3A_597, %sub3A_589 : vector<256x128xf32>
      %add3A_599 = arith.addf %mul3A_596, %mul3A_598 : vector<256x128xf32>
      %sub3A_600 = vector.broadcast %get3A_583 : vector<1x128xf32> to vector<256x128xf32>
      %sub3A_601 = arith.subf %sub3A_600, %add3A_594 : vector<256x128xf32>
      %sub3A_602 = arith.subf %sub3A_601, %add3A_599 : vector<256x128xf32>
      %min3A = arith.minimumf %add3A_599, %sub3A_602 : vector<256x128xf32>
      %min3A_603 = arith.minimumf %add3A_594, %min3A : vector<256x128xf32>
      %iota3A_604 = tpu.iota {dimensions = array<i32: 1>} : vector<256x128xi32>
      %ge3A = arith.constant 0.000000e+00 : f32
      %ge3A_605 = vector.broadcast %ge3A : f32 to vector<256x128xf32>
      %ge3A_606 = arith.cmpf oge, %min3A_603, %ge3A_605 : vector<256x128xf32>
      %jit3A_607 = arith.constant 1073741824 : i32
      %broadcast_in_dim3A = vector.broadcast %jit3A_607 : i32 to vector<256x128xi32>
      %select_n3A_608 = arith.select %ge3A_606, %iota3A_604, %broadcast_in_dim3A : vector<256x128xi1>, vector<256x128xi32>
      %reduce_min3A = arith.constant dense<2147483647> : vector<256xi32>
      %reduce_min3A_609 = vector.multi_reduction <minsi>, %select_n3A_608, %reduce_min3A [1] : vector<256x128xi32> to vector<256xi32>
      %broadcast_in_dim3A_610 = vector.shape_cast %reduce_min3A_609 : vector<256xi32> to vector<256x1xi32>
      %get3A_611 = arith.constant 7 : index
      %get3A_612 = arith.constant 0 : index
      %get3A_613 = vector.load %arg9[%get3A_611, %get3A_612] : memref<8x2048xf32, #tpu.memory_space<vmem>>, vector<1x128xf32>
      %swap3A_614 = arith.constant 0 : index
      %swap3A_615 = arith.constant 0 : index
      %swap3A_616 = vector.load %arg6[%swap3A_614, %swap3A_615] : memref<256x1xi32, #tpu.memory_space<vmem>>, vector<256x1xi32>
      tpu.vector_store %arg6[%swap3A_614, %swap3A_615], %broadcast_in_dim3A_610 {strides = array<i32>} : memref<256x1xi32, #tpu.memory_space<vmem>>, vector<256x1xi32>,
      %reduce_max3A = vector.shape_cast %broadcast_in_dim3A_610 : vector<256x1xi32> to vector<1x256x1xi32>
      %reduce_max3A_617 = arith.constant dense<-2147483648> : vector<1xi32>
      %reduce_max3A_618 = vector.multi_reduction <maxsi>, %reduce_max3A, %reduce_max3A_617 [1, 2] : vector<1x256x1xi32> to vector<1xi32>
      %reduce_max3A_619 = vector.shape_cast %reduce_max3A_618 : vector<1xi32> to vector<1x1x1xi32>
      %reduce_max3A_620 = vector.extract %reduce_max3A_619[0, 0, 0] : i32 from vector<1x1x1xi32>
      %lt3A_621 = arith.constant 1073741824 : i32
      %lt3A_622 = arith.cmpi slt, %reduce_max3A_620, %lt3A_621 : i32
      %convert_element_type3A_623 = arith.extui %lt3A_622 : i1 to i32
      %swap3A_624 = arith.constant 0 : index
      %swap3A_625 = memref.load %arg8[%swap3A_624] : memref<1xi32, #tpu.memory_space<smem>>
      memref.store %convert_element_type3A_623, %arg8[%swap3A_624] : memref<1xi32, #tpu.memory_space<smem>>
      %eq3A_626 = vector.broadcast %broadcast_in_dim3A_610 : vector<256x1xi32> to vector<256x128xi32>
      %eq3A_627 = arith.cmpi eq, %iota3A_604, %eq3A_626 : vector<256x128xi32>
      %jit3A_628 = arith.constant 0.000000e+00 : f32
      %broadcast_in_dim3A_629 = vector.shape_cast %get3A_613 : vector<1x128xf32> to vector<1x128xf32>
      %broadcast_in_dim3A_630 = vector.broadcast %broadcast_in_dim3A_629 : vector<1x128xf32> to vector<256x128xf32>
      %broadcast_in_dim3A_631 = vector.broadcast %jit3A_628 : f32 to vector<256x128xf32>
      %select_n3A_632 = arith.select %eq3A_627, %broadcast_in_dim3A_630, %broadcast_in_dim3A_631 : vector<256x128xi1>, vector<256x128xf32>
      %mul3A_633 = arith.mulf %select_n3A_632, %add3A_594 : vector<256x128xf32>
      %mul3A_634 = arith.mulf %select_n3A_632, %add3A_599 : vector<256x128xf32>
      %mul3A_635 = arith.mulf %select_n3A_632, %sub3A_602 : vector<256x128xf32>
      %get3A_636 = arith.constant 0 : index
      %get3A_637 = arith.constant 0 : index
      %get3A_638 = vector.load %arg2[%get3A_636, %get3A_637] : memref<2048x3xf32, #tpu.memory_space<vmem>>, vector<128x3xf32>
      %dot_general3A = arith.constant dense<0.000000e+00> : vector<256x3xf32>
      %dot_general3A_639 = tpu.matmul %mul3A_633, %get3A_638, %dot_general3A {dimension_numbers = #tpu.dot_dimension_numbers<[1], [0], [0], [1], [0, 0, 1, 1], [], []>, transpose_lhs_hint = false} : vector<256x128xf32>, vector<128x3xf32>, vector<256x3xf32> -> vector<256x3xf32>
      %get3A_640 = arith.constant 0 : index
      %get3A_641 = arith.constant 0 : index
      %get3A_642 = vector.load %arg3[%get3A_640, %get3A_641] : memref<2048x3xf32, #tpu.memory_space<vmem>>, vector<128x3xf32>
      %dot_general3A_643 = arith.constant dense<0.000000e+00> : vector<256x3xf32>
      %dot_general3A_644 = tpu.matmul %mul3A_634, %get3A_642, %dot_general3A_643 {dimension_numbers = #tpu.dot_dimension_numbers<[1], [0], [0], [1], [0, 0, 1, 1], [], []>, transpose_lhs_hint = false} : vector<256x128xf32>, vector<128x3xf32>, vector<256x3xf32> -> vector<256x3xf32>
      %add3A_645 = arith.addf %dot_general3A_639, %dot_general3A_644 : vector<256x3xf32>
      %get3A_646 = arith.constant 0 : index
      %get3A_647 = arith.constant 0 : index
      %get3A_648 = vector.load %arg4[%get3A_646, %get3A_647] : memref<2048x3xf32, #tpu.memory_space<vmem>>, vector<128x3xf32>
      %dot_general3A_649 = arith.constant dense<0.000000e+00> : vector<256x3xf32>
      %dot_general3A_650 = tpu.matmul %mul3A_635, %get3A_648, %dot_general3A_649 {dimension_numbers = #tpu.dot_dimension_numbers<[1], [0], [0], [1], [0, 0, 1, 1], [], []>, transpose_lhs_hint = false} : vector<256x128xf32>, vector<128x3xf32>, vector<256x3xf32> -> vector<256x3xf32>
      %add3A_651 = arith.addf %add3A_645, %dot_general3A_650 : vector<256x3xf32>
      %swap3A_652 = arith.constant 0 : index
      %swap3A_653 = arith.constant 0 : index
      %swap3A_654 = vector.load %arg7[%swap3A_652, %swap3A_653] : memref<256x3xf32, #tpu.memory_space<vmem>>, vector<256x3xf32>
      tpu.vector_store %arg7[%swap3A_652, %swap3A_653], %add3A_651 {strides = array<i32>} : memref<256x3xf32, #tpu.memory_space<vmem>>, vector<256x3xf32>,
    } else {
    }
    %get3A_117 = arith.constant 0 : index
    %get3A_118 = memref.load %arg8[%get3A_117] : memref<1xi32, #tpu.memory_space<smem>>
    %eq3A_119 = arith.constant 0 : i32
    %eq3A_120 = arith.cmpi eq, %get3A_118, %eq3A_119 : i32
    %or3A_121 = arith.constant false
    %or3A_122 = arith.ori %or3A_121, %eq3A_120 : i1
    %convert_element_type3A_123 = arith.extui %or3A_122 : i1 to i32
    %cond3A_124 = arith.constant 0 : i32
    %cond3A_125 = arith.cmpi ne, %convert_element_type3A_123, %cond3A_124 : i32
    scf.if %cond3A_125 {
      %get3A_563 = arith.constant 0 : index
      %get3A_564 = arith.constant 128 : index
      %get3A_565 = vector.load %arg9[%get3A_563, %get3A_564] : memref<8x2048xf32, #tpu.memory_space<vmem>>, vector<1x1920xf32>
      %get3A_566 = arith.constant 1 : index
      %get3A_567 = arith.constant 128 : index
      %get3A_568 = vector.load %arg9[%get3A_566, %get3A_567] : memref<8x2048xf32, #tpu.memory_space<vmem>>, vector<1x1920xf32>
      %get3A_569 = arith.constant 2 : index
      %get3A_570 = arith.constant 128 : index
      %get3A_571 = vector.load %arg9[%get3A_569, %get3A_570] : memref<8x2048xf32, #tpu.memory_space<vmem>>, vector<1x1920xf32>
      %get3A_572 = arith.constant 3 : index
      %get3A_573 = arith.constant 128 : index
      %get3A_574 = vector.load %arg9[%get3A_572, %get3A_573] : memref<8x2048xf32, #tpu.memory_space<vmem>>, vector<1x1920xf32>
      %get3A_575 = arith.constant 4 : index
      %get3A_576 = arith.constant 128 : index
      %get3A_577 = vector.load %arg9[%get3A_575, %get3A_576] : memref<8x2048xf32, #tpu.memory_space<vmem>>, vector<1x1920xf32>
      %get3A_578 = arith.constant 5 : index
      %get3A_579 = arith.constant 128 : index
      %get3A_580 = vector.load %arg9[%get3A_578, %get3A_579] : memref<8x2048xf32, #tpu.memory_space<vmem>>, vector<1x1920xf32>
      %get3A_581 = arith.constant 6 : index
      %get3A_582 = arith.constant 128 : index
      %get3A_583 = vector.load %arg9[%get3A_581, %get3A_582] : memref<8x2048xf32, #tpu.memory_space<vmem>>, vector<1x1920xf32>
      %sub3A_584 = vector.broadcast %div3A_102 : vector<256x1xf32> to vector<256x1920xf32>
      %sub3A_585 = vector.broadcast %get3A_577 : vector<1x1920xf32> to vector<256x1920xf32>
      %sub3A_586 = arith.subf %sub3A_584, %sub3A_585 : vector<256x1920xf32>
      %sub3A_587 = vector.broadcast %div3A_109 : vector<256x1xf32> to vector<256x1920xf32>
      %sub3A_588 = vector.broadcast %get3A_580 : vector<1x1920xf32> to vector<256x1920xf32>
      %sub3A_589 = arith.subf %sub3A_587, %sub3A_588 : vector<256x1920xf32>
      %mul3A_590 = vector.broadcast %get3A_565 : vector<1x1920xf32> to vector<256x1920xf32>
      %mul3A_591 = arith.mulf %mul3A_590, %sub3A_586 : vector<256x1920xf32>
      %mul3A_592 = vector.broadcast %get3A_568 : vector<1x1920xf32> to vector<256x1920xf32>
      %mul3A_593 = arith.mulf %mul3A_592, %sub3A_589 : vector<256x1920xf32>
      %add3A_594 = arith.addf %mul3A_591, %mul3A_593 : vector<256x1920xf32>
      %mul3A_595 = vector.broadcast %get3A_571 : vector<1x1920xf32> to vector<256x1920xf32>
      %mul3A_596 = arith.mulf %mul3A_595, %sub3A_586 : vector<256x1920xf32>
      %mul3A_597 = vector.broadcast %get3A_574 : vector<1x1920xf32> to vector<256x1920xf32>
      %mul3A_598 = arith.mulf %mul3A_597, %sub3A_589 : vector<256x1920xf32>
      %add3A_599 = arith.addf %mul3A_596, %mul3A_598 : vector<256x1920xf32>
      %sub3A_600 = vector.broadcast %get3A_583 : vector<1x1920xf32> to vector<256x1920xf32>
      %sub3A_601 = arith.subf %sub3A_600, %add3A_594 : vector<256x1920xf32>
      %sub3A_602 = arith.subf %sub3A_601, %add3A_599 : vector<256x1920xf32>
      %min3A = arith.minimumf %add3A_599, %sub3A_602 : vector<256x1920xf32>
      %min3A_603 = arith.minimumf %add3A_594, %min3A : vector<256x1920xf32>
      %iota3A_604 = tpu.iota {dimensions = array<i32: 1>} : vector<256x1920xi32>
      %ge3A = arith.constant 0.000000e+00 : f32
      %ge3A_605 = vector.broadcast %ge3A : f32 to vector<256x1920xf32>
      %ge3A_606 = arith.cmpf oge, %min3A_603, %ge3A_605 : vector<256x1920xf32>
      %jit3A_607 = arith.constant 1073741824 : i32
      %broadcast_in_dim3A = vector.broadcast %jit3A_607 : i32 to vector<256x1920xi32>
      %select_n3A_608 = arith.select %ge3A_606, %iota3A_604, %broadcast_in_dim3A : vector<256x1920xi1>, vector<256x1920xi32>
      %reduce_min3A = arith.constant dense<2147483647> : vector<256xi32>
      %reduce_min3A_609 = vector.multi_reduction <minsi>, %select_n3A_608, %reduce_min3A [1] : vector<256x1920xi32> to vector<256xi32>
      %broadcast_in_dim3A_610 = vector.shape_cast %reduce_min3A_609 : vector<256xi32> to vector<256x1xi32>
      %get3A_611 = arith.constant 7 : index
      %get3A_612 = arith.constant 128 : index
      %get3A_613 = vector.load %arg9[%get3A_611, %get3A_612] : memref<8x2048xf32, #tpu.memory_space<vmem>>, vector<1x1920xf32>
      %get3A_614 = arith.constant 0 : index
      %get3A_615 = arith.constant 0 : index
      %get3A_616 = vector.load %arg6[%get3A_614, %get3A_615] : memref<256x1xi32, #tpu.memory_space<vmem>>, vector<256x1xi32>
      %add3A_617 = arith.constant 128 : i32
      %add3A_618 = vector.broadcast %add3A_617 : i32 to vector<256x1xi32>
      %add3A_619 = arith.addi %broadcast_in_dim3A_610, %add3A_618 : vector<256x1xi32>
      %lt3A_620 = arith.cmpi slt, %add3A_619, %get3A_616 : vector<256x1xi32>
      %add3A_621 = arith.constant 128 : i32
      %add3A_622 = vector.broadcast %add3A_621 : i32 to vector<256x1xi32>
      %add3A_623 = arith.addi %broadcast_in_dim3A_610, %add3A_622 : vector<256x1xi32>
      %select_n3A_624 = arith.select %lt3A_620, %add3A_623, %get3A_616 : vector<256x1xi1>, vector<256x1xi32>
      %swap3A_625 = arith.constant 0 : index
      %swap3A_626 = arith.constant 0 : index
      %swap3A_627 = vector.load %arg6[%swap3A_625, %swap3A_626] : memref<256x1xi32, #tpu.memory_space<vmem>>, vector<256x1xi32>
      tpu.vector_store %arg6[%swap3A_625, %swap3A_626], %select_n3A_624 {strides = array<i32>} : memref<256x1xi32, #tpu.memory_space<vmem>>, vector<256x1xi32>,
      %jit3A_628 = arith.constant 0 : i32
      %broadcast_in_dim3A_629 = vector.broadcast %jit3A_628 : i32 to vector<256x1xi32>
      %select_n3A_630 = arith.select %lt3A_620, %broadcast_in_dim3A_629, %get3A_616 : vector<256x1xi1>, vector<256x1xi32>
      %reduce_max3A = vector.shape_cast %select_n3A_630 : vector<256x1xi32> to vector<1x256x1xi32>
      %reduce_max3A_631 = arith.constant dense<-2147483648> : vector<1xi32>
      %reduce_max3A_632 = vector.multi_reduction <maxsi>, %reduce_max3A, %reduce_max3A_631 [1, 2] : vector<1x256x1xi32> to vector<1xi32>
      %reduce_max3A_633 = vector.shape_cast %reduce_max3A_632 : vector<1xi32> to vector<1x1x1xi32>
      %reduce_max3A_634 = vector.extract %reduce_max3A_633[0, 0, 0] : i32 from vector<1x1x1xi32>
      %lt3A_635 = arith.constant 1073741824 : i32
      %lt3A_636 = arith.cmpi slt, %reduce_max3A_634, %lt3A_635 : i32
      %convert_element_type3A_637 = arith.extui %lt3A_636 : i1 to i32
      %swap3A_638 = arith.constant 0 : index
      %swap3A_639 = memref.load %arg8[%swap3A_638] : memref<1xi32, #tpu.memory_space<smem>>
      memref.store %convert_element_type3A_637, %arg8[%swap3A_638] : memref<1xi32, #tpu.memory_space<smem>>
      %convert_element_type3A_640 = arith.extui %lt3A_620 : vector<256x1xi1> to vector<256x1xi32>
      %reduce_max3A_641 = vector.shape_cast %convert_element_type3A_640 : vector<256x1xi32> to vector<1x256x1xi32>
      %reduce_max3A_642 = arith.constant dense<-2147483648> : vector<1xi32>
      %reduce_max3A_643 = vector.multi_reduction <maxsi>, %reduce_max3A_641, %reduce_max3A_642 [1, 2] : vector<1x256x1xi32> to vector<1xi32>
      %reduce_max3A_644 = vector.shape_cast %reduce_max3A_643 : vector<1xi32> to vector<1x1x1xi32>
      %reduce_max3A_645 = vector.extract %reduce_max3A_644[0, 0, 0] : i32 from vector<1x1x1xi32>
      %gt3A = arith.constant 0 : i32
      %gt3A_646 = arith.cmpi sgt, %reduce_max3A_645, %gt3A : i32
      %convert_element_type3A_647 = arith.extui %gt3A_646 : i1 to i32
      %cond3A_648 = arith.constant 0 : i32
      %cond3A_649 = arith.cmpi ne, %convert_element_type3A_647, %cond3A_648 : i32
      scf.if %cond3A_649 {
        %eq3A_650 = vector.broadcast %broadcast_in_dim3A_610 : vector<256x1xi32> to vector<256x1920xi32>
        %eq3A_651 = arith.cmpi eq, %iota3A_604, %eq3A_650 : vector<256x1920xi32>
        %and3A_652 = vector.broadcast %lt3A_620 : vector<256x1xi1> to vector<256x1920xi1>
        %and3A_653 = arith.andi %eq3A_651, %and3A_652 : vector<256x1920xi1>
        %jit3A_654 = arith.constant 0.000000e+00 : f32
        %broadcast_in_dim3A_655 = vector.shape_cast %get3A_613 : vector<1x1920xf32> to vector<1x1920xf32>
        %broadcast_in_dim3A_656 = vector.broadcast %broadcast_in_dim3A_655 : vector<1x1920xf32> to vector<256x1920xf32>
        %broadcast_in_dim3A_657 = vector.broadcast %jit3A_654 : f32 to vector<256x1920xf32>
        %select_n3A_658 = arith.select %and3A_653, %broadcast_in_dim3A_656, %broadcast_in_dim3A_657 : vector<256x1920xi1>, vector<256x1920xf32>
        %mul3A_659 = arith.mulf %select_n3A_658, %add3A_594 : vector<256x1920xf32>
        %mul3A_660 = arith.mulf %select_n3A_658, %add3A_599 : vector<256x1920xf32>
        %mul3A_661 = arith.mulf %select_n3A_658, %sub3A_602 : vector<256x1920xf32>
        %get3A_662 = arith.constant 128 : index
        %get3A_663 = arith.constant 0 : index
        %get3A_664 = vector.load %arg2[%get3A_662, %get3A_663] : memref<2048x3xf32, #tpu.memory_space<vmem>>, vector<1920x3xf32>
        %dot_general3A = arith.constant dense<0.000000e+00> : vector<256x3xf32>
        %dot_general3A_665 = tpu.matmul %mul3A_659, %get3A_664, %dot_general3A {dimension_numbers = #tpu.dot_dimension_numbers<[1], [0], [0], [1], [0, 0, 1, 1], [], []>, transpose_lhs_hint = false} : vector<256x1920xf32>, vector<1920x3xf32>, vector<256x3xf32> -> vector<256x3xf32>
        %get3A_666 = arith.constant 128 : index
        %get3A_667 = arith.constant 0 : index
        %get3A_668 = vector.load %arg3[%get3A_666, %get3A_667] : memref<2048x3xf32, #tpu.memory_space<vmem>>, vector<1920x3xf32>
        %dot_general3A_669 = arith.constant dense<0.000000e+00> : vector<256x3xf32>
        %dot_general3A_670 = tpu.matmul %mul3A_660, %get3A_668, %dot_general3A_669 {dimension_numbers = #tpu.dot_dimension_numbers<[1], [0], [0], [1], [0, 0, 1, 1], [], []>, transpose_lhs_hint = false} : vector<256x1920xf32>, vector<1920x3xf32>, vector<256x3xf32> -> vector<256x3xf32>
        %add3A_671 = arith.addf %dot_general3A_665, %dot_general3A_670 : vector<256x3xf32>
        %get3A_672 = arith.constant 128 : index
        %get3A_673 = arith.constant 0 : index
        %get3A_674 = vector.load %arg4[%get3A_672, %get3A_673] : memref<2048x3xf32, #tpu.memory_space<vmem>>, vector<1920x3xf32>
        %dot_general3A_675 = arith.constant dense<0.000000e+00> : vector<256x3xf32>
        %dot_general3A_676 = tpu.matmul %mul3A_661, %get3A_674, %dot_general3A_675 {dimension_numbers = #tpu.dot_dimension_numbers<[1], [0], [0], [1], [0, 0, 1, 1], [], []>, transpose_lhs_hint = false} : vector<256x1920xf32>, vector<1920x3xf32>, vector<256x3xf32> -> vector<256x3xf32>
        %add3A_677 = arith.addf %add3A_671, %dot_general3A_676 : vector<256x3xf32>
        %get3A_678 = arith.constant 0 : index
        %get3A_679 = arith.constant 0 : index
        %get3A_680 = vector.load %arg7[%get3A_678, %get3A_679] : memref<256x3xf32, #tpu.memory_space<vmem>>, vector<256x3xf32>
        %add3A_681 = arith.addf %get3A_680, %add3A_677 : vector<256x3xf32>
        %swap3A_682 = arith.constant 0 : index
        %swap3A_683 = arith.constant 0 : index
        %swap3A_684 = vector.load %arg7[%swap3A_682, %swap3A_683] : memref<256x3xf32, #tpu.memory_space<vmem>>, vector<256x3xf32>
        tpu.vector_store %arg7[%swap3A_682, %swap3A_683], %add3A_681 {strides = array<i32>} : memref<256x3xf32, #tpu.memory_space<vmem>>, vector<256x3xf32>,
      } else {
      }
    } else {
    }
    %get3A_126 = arith.constant 0 : index
    %get3A_127 = arith.constant 0 : index
    %get3A_128 = vector.load %arg7[%get3A_126, %get3A_127] : memref<256x3xf32, #tpu.memory_space<vmem>>, vector<256x3xf32>
    %swap3A = arith.constant 0 : index
    %swap3A_129 = arith.constant 0 : index
    %swap3A_130 = vector.load %arg5[%swap3A, %swap3A_129] : memref<1024x3xf32, #tpu.memory_space<vmem>>, vector<256x3xf32>
    tpu.vector_store %arg5[%swap3A, %swap3A_129], %get3A_128 {strides = array<i32>} : memref<1024x3xf32, #tpu.memory_space<vmem>>, vector<256x3xf32>,
    %mul3A_131 = arith.constant 4 : i32
    %mul3A_132 = arith.muli %arg0, %mul3A_131 : i32
    %add3A_133 = arith.constant 1 : i32
    %add3A_134 = arith.addi %mul3A_132, %add3A_133 : i32
    %jit3A_135 = arith.constant 16 : i32
    %div3A_136 = arith.divsi %add3A_134, %jit3A_135 : i32
    %sign3A_137 = arith.constant 0 : i32
    %sign3A_138 = arith.cmpi sgt, %add3A_134, %sign3A_137 : i32
    %sign3A_139 = arith.extui %sign3A_138 : i1 to i32
    %sign3A_140 = arith.constant 0 : i32
    %sign3A_141 = arith.cmpi slt, %add3A_134, %sign3A_140 : i32
    %sign3A_142 = arith.extui %sign3A_141 : i1 to i32
    %sign3A_143 = arith.subi %sign3A_139, %sign3A_142 : i32
    %sign3A_144 = arith.constant 0 : i32
    %sign3A_145 = arith.cmpi sgt, %jit3A_135, %sign3A_144 : i32
    %sign3A_146 = arith.extui %sign3A_145 : i1 to i32
    %sign3A_147 = arith.constant 0 : i32
    %sign3A_148 = arith.cmpi slt, %jit3A_135, %sign3A_147 : i32
    %sign3A_149 = arith.extui %sign3A_148 : i1 to i32
    %sign3A_150 = arith.subi %sign3A_146, %sign3A_149 : i32
    %ne3A_151 = arith.cmpi ne, %sign3A_143, %sign3A_150 : i32
    %rem3A_152 = arith.remsi %add3A_134, %jit3A_135 : i32
    %ne3A_153 = arith.constant 0 : i32
    %ne3A_154 = arith.cmpi ne, %rem3A_152, %ne3A_153 : i32
    %and3A_155 = arith.andi %ne3A_151, %ne3A_154 : i1
    %sub3A_156 = arith.constant 1 : i32
    %sub3A_157 = arith.subi %div3A_136, %sub3A_156 : i32
    %select_n3A_158 = arith.select %and3A_155, %sub3A_157, %div3A_136 : i32
    %jit3A_159 = arith.constant 16 : i32
    %eq3A_160 = arith.constant 0 : i32
    %eq3A_161 = arith.cmpi eq, %jit3A_159, %eq3A_160 : i32
    %jit3A_162 = arith.constant 1 : i32
    %select_n3A_163 = arith.select %eq3A_161, %jit3A_162, %jit3A_159 : i32
    %rem3A_164 = arith.remsi %add3A_134, %select_n3A_163 : i32
    %ne3A_165 = arith.constant 0 : i32
    %ne3A_166 = arith.cmpi ne, %rem3A_164, %ne3A_165 : i32
    %lt3A_167 = arith.constant 0 : i32
    %lt3A_168 = arith.cmpi slt, %rem3A_164, %lt3A_167 : i32
    %lt3A_169 = arith.constant 0 : i32
    %lt3A_170 = arith.cmpi slt, %select_n3A_163, %lt3A_169 : i32
    %ne3A_171 = arith.xori %lt3A_168, %lt3A_170 : i1
    %and3A_172 = arith.andi %ne3A_171, %ne3A_166 : i1
    %add3A_173 = arith.addi %rem3A_164, %select_n3A_163 : i32
    %select_n3A_174 = arith.select %and3A_172, %add3A_173, %rem3A_164 : i32
    %iota3A_175 = tpu.iota {dimensions = array<i32: 0>} : vector<256x1xi32>
    %mul3A_176 = arith.constant 16 : i32
    %mul3A_177 = arith.muli %select_n3A_174, %mul3A_176 : i32
    %jit3A_178 = arith.constant 16 : i32
    %eq3A_179 = arith.constant 0 : i32
    %eq3A_180 = arith.cmpi eq, %jit3A_178, %eq3A_179 : i32
    %jit3A_181 = arith.constant 1 : i32
    %select_n3A_182 = arith.select %eq3A_180, %jit3A_181, %jit3A_178 : i32
    %rem3A_183 = vector.broadcast %select_n3A_182 : i32 to vector<256x1xi32>
    %rem3A_184 = arith.remsi %iota3A_175, %rem3A_183 : vector<256x1xi32>
    %ne3A_185 = arith.constant 0 : i32
    %ne3A_186 = vector.broadcast %ne3A_185 : i32 to vector<256x1xi32>
    %ne3A_187 = arith.cmpi ne, %rem3A_184, %ne3A_186 : vector<256x1xi32>
    %lt3A_188 = arith.constant 0 : i32
    %lt3A_189 = vector.broadcast %lt3A_188 : i32 to vector<256x1xi32>
    %lt3A_190 = arith.cmpi slt, %rem3A_184, %lt3A_189 : vector<256x1xi32>
    %lt3A_191 = arith.constant 0 : i32
    %lt3A_192 = arith.cmpi slt, %select_n3A_182, %lt3A_191 : i32
    %ne3A_193 = vector.broadcast %lt3A_192 : i1 to vector<256x1xi1>
    %ne3A_194 = vector.broadcast %ne3A_193 : vector<256x1xi1> to vector<256x1xi1>
    %ne3A_195 = arith.xori %lt3A_190, %ne3A_194 : vector<256x1xi1>
    %and3A_196 = arith.andi %ne3A_195, %ne3A_187 : vector<256x1xi1>
    %add3A_197 = vector.broadcast %select_n3A_182 : i32 to vector<256x1xi32>
    %add3A_198 = arith.addi %rem3A_184, %add3A_197 : vector<256x1xi32>
    %select_n3A_199 = arith.select %and3A_196, %add3A_198, %rem3A_184 : vector<256x1xi1>, vector<256x1xi32>
    %add3A_200 = vector.broadcast %mul3A_177 : i32 to vector<256x1xi32>
    %add3A_201 = arith.addi %add3A_200, %select_n3A_199 : vector<256x1xi32>
    %mul3A_202 = arith.constant 16 : i32
    %mul3A_203 = arith.muli %select_n3A_158, %mul3A_202 : i32
    %jit3A_204 = arith.constant 16 : i32
    %div3A_205 = vector.broadcast %jit3A_204 : i32 to vector<256x1xi32>
    %div3A_206 = arith.divsi %iota3A_175, %div3A_205 : vector<256x1xi32>
    %sign3A_207 = arith.constant 0 : i32
    %sign3A_208 = vector.broadcast %sign3A_207 : i32 to vector<256x1xi32>
    %sign3A_209 = arith.cmpi sgt, %iota3A_175, %sign3A_208 : vector<256x1xi32>
    %sign3A_210 = arith.extui %sign3A_209 : vector<256x1xi1> to vector<256x1xi32>
    %sign3A_211 = arith.constant 0 : i32
    %sign3A_212 = vector.broadcast %sign3A_211 : i32 to vector<256x1xi32>
    %sign3A_213 = arith.cmpi slt, %iota3A_175, %sign3A_212 : vector<256x1xi32>
    %sign3A_214 = arith.extui %sign3A_213 : vector<256x1xi1> to vector<256x1xi32>
    %sign3A_215 = arith.subi %sign3A_210, %sign3A_214 : vector<256x1xi32>
    %sign3A_216 = arith.constant 0 : i32
    %sign3A_217 = arith.cmpi sgt, %jit3A_204, %sign3A_216 : i32
    %sign3A_218 = arith.extui %sign3A_217 : i1 to i32
    %sign3A_219 = arith.constant 0 : i32
    %sign3A_220 = arith.cmpi slt, %jit3A_204, %sign3A_219 : i32
    %sign3A_221 = arith.extui %sign3A_220 : i1 to i32
    %sign3A_222 = arith.subi %sign3A_218, %sign3A_221 : i32
    %ne3A_223 = vector.broadcast %sign3A_222 : i32 to vector<256x1xi32>
    %ne3A_224 = arith.cmpi ne, %sign3A_215, %ne3A_223 : vector<256x1xi32>
    %rem3A_225 = vector.broadcast %jit3A_204 : i32 to vector<256x1xi32>
    %rem3A_226 = arith.remsi %iota3A_175, %rem3A_225 : vector<256x1xi32>
    %ne3A_227 = arith.constant 0 : i32
    %ne3A_228 = vector.broadcast %ne3A_227 : i32 to vector<256x1xi32>
    %ne3A_229 = arith.cmpi ne, %rem3A_226, %ne3A_228 : vector<256x1xi32>
    %and3A_230 = arith.andi %ne3A_224, %ne3A_229 : vector<256x1xi1>
    %sub3A_231 = arith.constant 1 : i32
    %sub3A_232 = vector.broadcast %sub3A_231 : i32 to vector<256x1xi32>
    %sub3A_233 = arith.subi %div3A_206, %sub3A_232 : vector<256x1xi32>
    %select_n3A_234 = arith.select %and3A_230, %sub3A_233, %div3A_206 : vector<256x1xi1>, vector<256x1xi32>
    %add3A_235 = vector.broadcast %mul3A_203 : i32 to vector<256x1xi32>
    %add3A_236 = arith.addi %add3A_235, %select_n3A_234 : vector<256x1xi32>
    %convert_element_type3A_237 = arith.sitofp %add3A_201 : vector<256x1xi32> to vector<256x1xf32>
    %add3A_238 = arith.constant 5.000000e-01 : f32
    %add3A_239 = vector.broadcast %add3A_238 : f32 to vector<256x1xf32>
    %add3A_240 = arith.addf %convert_element_type3A_237, %add3A_239 : vector<256x1xf32>
    %div3A_241 = arith.constant 2.560000e+02 : f32
    %div3A_242 = vector.broadcast %div3A_241 : f32 to vector<256x1xf32>
    %div3A_243 = arith.divf %add3A_240, %div3A_242 : vector<256x1xf32>
    %convert_element_type3A_244 = arith.sitofp %add3A_236 : vector<256x1xi32> to vector<256x1xf32>
    %add3A_245 = arith.constant 5.000000e-01 : f32
    %add3A_246 = vector.broadcast %add3A_245 : f32 to vector<256x1xf32>
    %add3A_247 = arith.addf %convert_element_type3A_244, %add3A_246 : vector<256x1xf32>
    %div3A_248 = arith.constant 2.560000e+02 : f32
    %div3A_249 = vector.broadcast %div3A_248 : f32 to vector<256x1xf32>
    %div3A_250 = arith.divf %add3A_247, %div3A_249 : vector<256x1xf32>
    %get3A_251 = arith.constant 0 : index
    %get3A_252 = memref.load %arg8[%get3A_251] : memref<1xi32, #tpu.memory_space<smem>>
    %eq3A_253 = arith.constant 0 : i32
    %eq3A_254 = arith.cmpi eq, %get3A_252, %eq3A_253 : i32
    %or3A_255 = arith.constant true
    %or3A_256 = arith.ori %or3A_255, %eq3A_254 : i1
    %convert_element_type3A_257 = arith.extui %or3A_256 : i1 to i32
    %cond3A_258 = arith.constant 0 : i32
    %cond3A_259 = arith.cmpi ne, %convert_element_type3A_257, %cond3A_258 : i32
    scf.if %cond3A_259 {
      %get3A_563 = arith.constant 0 : index
      %get3A_564 = arith.constant 0 : index
      %get3A_565 = vector.load %arg9[%get3A_563, %get3A_564] : memref<8x2048xf32, #tpu.memory_space<vmem>>, vector<1x128xf32>
      %get3A_566 = arith.constant 1 : index
      %get3A_567 = arith.constant 0 : index
      %get3A_568 = vector.load %arg9[%get3A_566, %get3A_567] : memref<8x2048xf32, #tpu.memory_space<vmem>>, vector<1x128xf32>
      %get3A_569 = arith.constant 2 : index
      %get3A_570 = arith.constant 0 : index
      %get3A_571 = vector.load %arg9[%get3A_569, %get3A_570] : memref<8x2048xf32, #tpu.memory_space<vmem>>, vector<1x128xf32>
      %get3A_572 = arith.constant 3 : index
      %get3A_573 = arith.constant 0 : index
      %get3A_574 = vector.load %arg9[%get3A_572, %get3A_573] : memref<8x2048xf32, #tpu.memory_space<vmem>>, vector<1x128xf32>
      %get3A_575 = arith.constant 4 : index
      %get3A_576 = arith.constant 0 : index
      %get3A_577 = vector.load %arg9[%get3A_575, %get3A_576] : memref<8x2048xf32, #tpu.memory_space<vmem>>, vector<1x128xf32>
      %get3A_578 = arith.constant 5 : index
      %get3A_579 = arith.constant 0 : index
      %get3A_580 = vector.load %arg9[%get3A_578, %get3A_579] : memref<8x2048xf32, #tpu.memory_space<vmem>>, vector<1x128xf32>
      %get3A_581 = arith.constant 6 : index
      %get3A_582 = arith.constant 0 : index
      %get3A_583 = vector.load %arg9[%get3A_581, %get3A_582] : memref<8x2048xf32, #tpu.memory_space<vmem>>, vector<1x128xf32>
      %sub3A_584 = vector.broadcast %div3A_243 : vector<256x1xf32> to vector<256x128xf32>
      %sub3A_585 = vector.broadcast %get3A_577 : vector<1x128xf32> to vector<256x128xf32>
      %sub3A_586 = arith.subf %sub3A_584, %sub3A_585 : vector<256x128xf32>
      %sub3A_587 = vector.broadcast %div3A_250 : vector<256x1xf32> to vector<256x128xf32>
      %sub3A_588 = vector.broadcast %get3A_580 : vector<1x128xf32> to vector<256x128xf32>
      %sub3A_589 = arith.subf %sub3A_587, %sub3A_588 : vector<256x128xf32>
      %mul3A_590 = vector.broadcast %get3A_565 : vector<1x128xf32> to vector<256x128xf32>
      %mul3A_591 = arith.mulf %mul3A_590, %sub3A_586 : vector<256x128xf32>
      %mul3A_592 = vector.broadcast %get3A_568 : vector<1x128xf32> to vector<256x128xf32>
      %mul3A_593 = arith.mulf %mul3A_592, %sub3A_589 : vector<256x128xf32>
      %add3A_594 = arith.addf %mul3A_591, %mul3A_593 : vector<256x128xf32>
      %mul3A_595 = vector.broadcast %get3A_571 : vector<1x128xf32> to vector<256x128xf32>
      %mul3A_596 = arith.mulf %mul3A_595, %sub3A_586 : vector<256x128xf32>
      %mul3A_597 = vector.broadcast %get3A_574 : vector<1x128xf32> to vector<256x128xf32>
      %mul3A_598 = arith.mulf %mul3A_597, %sub3A_589 : vector<256x128xf32>
      %add3A_599 = arith.addf %mul3A_596, %mul3A_598 : vector<256x128xf32>
      %sub3A_600 = vector.broadcast %get3A_583 : vector<1x128xf32> to vector<256x128xf32>
      %sub3A_601 = arith.subf %sub3A_600, %add3A_594 : vector<256x128xf32>
      %sub3A_602 = arith.subf %sub3A_601, %add3A_599 : vector<256x128xf32>
      %min3A = arith.minimumf %add3A_599, %sub3A_602 : vector<256x128xf32>
      %min3A_603 = arith.minimumf %add3A_594, %min3A : vector<256x128xf32>
      %iota3A_604 = tpu.iota {dimensions = array<i32: 1>} : vector<256x128xi32>
      %ge3A = arith.constant 0.000000e+00 : f32
      %ge3A_605 = vector.broadcast %ge3A : f32 to vector<256x128xf32>
      %ge3A_606 = arith.cmpf oge, %min3A_603, %ge3A_605 : vector<256x128xf32>
      %jit3A_607 = arith.constant 1073741824 : i32
      %broadcast_in_dim3A = vector.broadcast %jit3A_607 : i32 to vector<256x128xi32>
      %select_n3A_608 = arith.select %ge3A_606, %iota3A_604, %broadcast_in_dim3A : vector<256x128xi1>, vector<256x128xi32>
      %reduce_min3A = arith.constant dense<2147483647> : vector<256xi32>
      %reduce_min3A_609 = vector.multi_reduction <minsi>, %select_n3A_608, %reduce_min3A [1] : vector<256x128xi32> to vector<256xi32>
      %broadcast_in_dim3A_610 = vector.shape_cast %reduce_min3A_609 : vector<256xi32> to vector<256x1xi32>
      %get3A_611 = arith.constant 7 : index
      %get3A_612 = arith.constant 0 : index
      %get3A_613 = vector.load %arg9[%get3A_611, %get3A_612] : memref<8x2048xf32, #tpu.memory_space<vmem>>, vector<1x128xf32>
      %swap3A_614 = arith.constant 0 : index
      %swap3A_615 = arith.constant 0 : index
      %swap3A_616 = vector.load %arg6[%swap3A_614, %swap3A_615] : memref<256x1xi32, #tpu.memory_space<vmem>>, vector<256x1xi32>
      tpu.vector_store %arg6[%swap3A_614, %swap3A_615], %broadcast_in_dim3A_610 {strides = array<i32>} : memref<256x1xi32, #tpu.memory_space<vmem>>, vector<256x1xi32>,
      %reduce_max3A = vector.shape_cast %broadcast_in_dim3A_610 : vector<256x1xi32> to vector<1x256x1xi32>
      %reduce_max3A_617 = arith.constant dense<-2147483648> : vector<1xi32>
      %reduce_max3A_618 = vector.multi_reduction <maxsi>, %reduce_max3A, %reduce_max3A_617 [1, 2] : vector<1x256x1xi32> to vector<1xi32>
      %reduce_max3A_619 = vector.shape_cast %reduce_max3A_618 : vector<1xi32> to vector<1x1x1xi32>
      %reduce_max3A_620 = vector.extract %reduce_max3A_619[0, 0, 0] : i32 from vector<1x1x1xi32>
      %lt3A_621 = arith.constant 1073741824 : i32
      %lt3A_622 = arith.cmpi slt, %reduce_max3A_620, %lt3A_621 : i32
      %convert_element_type3A_623 = arith.extui %lt3A_622 : i1 to i32
      %swap3A_624 = arith.constant 0 : index
      %swap3A_625 = memref.load %arg8[%swap3A_624] : memref<1xi32, #tpu.memory_space<smem>>
      memref.store %convert_element_type3A_623, %arg8[%swap3A_624] : memref<1xi32, #tpu.memory_space<smem>>
      %eq3A_626 = vector.broadcast %broadcast_in_dim3A_610 : vector<256x1xi32> to vector<256x128xi32>
      %eq3A_627 = arith.cmpi eq, %iota3A_604, %eq3A_626 : vector<256x128xi32>
      %jit3A_628 = arith.constant 0.000000e+00 : f32
      %broadcast_in_dim3A_629 = vector.shape_cast %get3A_613 : vector<1x128xf32> to vector<1x128xf32>
      %broadcast_in_dim3A_630 = vector.broadcast %broadcast_in_dim3A_629 : vector<1x128xf32> to vector<256x128xf32>
      %broadcast_in_dim3A_631 = vector.broadcast %jit3A_628 : f32 to vector<256x128xf32>
      %select_n3A_632 = arith.select %eq3A_627, %broadcast_in_dim3A_630, %broadcast_in_dim3A_631 : vector<256x128xi1>, vector<256x128xf32>
      %mul3A_633 = arith.mulf %select_n3A_632, %add3A_594 : vector<256x128xf32>
      %mul3A_634 = arith.mulf %select_n3A_632, %add3A_599 : vector<256x128xf32>
      %mul3A_635 = arith.mulf %select_n3A_632, %sub3A_602 : vector<256x128xf32>
      %get3A_636 = arith.constant 0 : index
      %get3A_637 = arith.constant 0 : index
      %get3A_638 = vector.load %arg2[%get3A_636, %get3A_637] : memref<2048x3xf32, #tpu.memory_space<vmem>>, vector<128x3xf32>
      %dot_general3A = arith.constant dense<0.000000e+00> : vector<256x3xf32>
      %dot_general3A_639 = tpu.matmul %mul3A_633, %get3A_638, %dot_general3A {dimension_numbers = #tpu.dot_dimension_numbers<[1], [0], [0], [1], [0, 0, 1, 1], [], []>, transpose_lhs_hint = false} : vector<256x128xf32>, vector<128x3xf32>, vector<256x3xf32> -> vector<256x3xf32>
      %get3A_640 = arith.constant 0 : index
      %get3A_641 = arith.constant 0 : index
      %get3A_642 = vector.load %arg3[%get3A_640, %get3A_641] : memref<2048x3xf32, #tpu.memory_space<vmem>>, vector<128x3xf32>
      %dot_general3A_643 = arith.constant dense<0.000000e+00> : vector<256x3xf32>
      %dot_general3A_644 = tpu.matmul %mul3A_634, %get3A_642, %dot_general3A_643 {dimension_numbers = #tpu.dot_dimension_numbers<[1], [0], [0], [1], [0, 0, 1, 1], [], []>, transpose_lhs_hint = false} : vector<256x128xf32>, vector<128x3xf32>, vector<256x3xf32> -> vector<256x3xf32>
      %add3A_645 = arith.addf %dot_general3A_639, %dot_general3A_644 : vector<256x3xf32>
      %get3A_646 = arith.constant 0 : index
      %get3A_647 = arith.constant 0 : index
      %get3A_648 = vector.load %arg4[%get3A_646, %get3A_647] : memref<2048x3xf32, #tpu.memory_space<vmem>>, vector<128x3xf32>
      %dot_general3A_649 = arith.constant dense<0.000000e+00> : vector<256x3xf32>
      %dot_general3A_650 = tpu.matmul %mul3A_635, %get3A_648, %dot_general3A_649 {dimension_numbers = #tpu.dot_dimension_numbers<[1], [0], [0], [1], [0, 0, 1, 1], [], []>, transpose_lhs_hint = false} : vector<256x128xf32>, vector<128x3xf32>, vector<256x3xf32> -> vector<256x3xf32>
      %add3A_651 = arith.addf %add3A_645, %dot_general3A_650 : vector<256x3xf32>
      %swap3A_652 = arith.constant 0 : index
      %swap3A_653 = arith.constant 0 : index
      %swap3A_654 = vector.load %arg7[%swap3A_652, %swap3A_653] : memref<256x3xf32, #tpu.memory_space<vmem>>, vector<256x3xf32>
      tpu.vector_store %arg7[%swap3A_652, %swap3A_653], %add3A_651 {strides = array<i32>} : memref<256x3xf32, #tpu.memory_space<vmem>>, vector<256x3xf32>,
    } else {
    }
    %get3A_260 = arith.constant 0 : index
    %get3A_261 = memref.load %arg8[%get3A_260] : memref<1xi32, #tpu.memory_space<smem>>
    %eq3A_262 = arith.constant 0 : i32
    %eq3A_263 = arith.cmpi eq, %get3A_261, %eq3A_262 : i32
    %or3A_264 = arith.constant false
    %or3A_265 = arith.ori %or3A_264, %eq3A_263 : i1
    %convert_element_type3A_266 = arith.extui %or3A_265 : i1 to i32
    %cond3A_267 = arith.constant 0 : i32
    %cond3A_268 = arith.cmpi ne, %convert_element_type3A_266, %cond3A_267 : i32
    scf.if %cond3A_268 {
      %get3A_563 = arith.constant 0 : index
      %get3A_564 = arith.constant 128 : index
      %get3A_565 = vector.load %arg9[%get3A_563, %get3A_564] : memref<8x2048xf32, #tpu.memory_space<vmem>>, vector<1x1920xf32>
      %get3A_566 = arith.constant 1 : index
      %get3A_567 = arith.constant 128 : index
      %get3A_568 = vector.load %arg9[%get3A_566, %get3A_567] : memref<8x2048xf32, #tpu.memory_space<vmem>>, vector<1x1920xf32>
      %get3A_569 = arith.constant 2 : index
      %get3A_570 = arith.constant 128 : index
      %get3A_571 = vector.load %arg9[%get3A_569, %get3A_570] : memref<8x2048xf32, #tpu.memory_space<vmem>>, vector<1x1920xf32>
      %get3A_572 = arith.constant 3 : index
      %get3A_573 = arith.constant 128 : index
      %get3A_574 = vector.load %arg9[%get3A_572, %get3A_573] : memref<8x2048xf32, #tpu.memory_space<vmem>>, vector<1x1920xf32>
      %get3A_575 = arith.constant 4 : index
      %get3A_576 = arith.constant 128 : index
      %get3A_577 = vector.load %arg9[%get3A_575, %get3A_576] : memref<8x2048xf32, #tpu.memory_space<vmem>>, vector<1x1920xf32>
      %get3A_578 = arith.constant 5 : index
      %get3A_579 = arith.constant 128 : index
      %get3A_580 = vector.load %arg9[%get3A_578, %get3A_579] : memref<8x2048xf32, #tpu.memory_space<vmem>>, vector<1x1920xf32>
      %get3A_581 = arith.constant 6 : index
      %get3A_582 = arith.constant 128 : index
      %get3A_583 = vector.load %arg9[%get3A_581, %get3A_582] : memref<8x2048xf32, #tpu.memory_space<vmem>>, vector<1x1920xf32>
      %sub3A_584 = vector.broadcast %div3A_243 : vector<256x1xf32> to vector<256x1920xf32>
      %sub3A_585 = vector.broadcast %get3A_577 : vector<1x1920xf32> to vector<256x1920xf32>
      %sub3A_586 = arith.subf %sub3A_584, %sub3A_585 : vector<256x1920xf32>
      %sub3A_587 = vector.broadcast %div3A_250 : vector<256x1xf32> to vector<256x1920xf32>
      %sub3A_588 = vector.broadcast %get3A_580 : vector<1x1920xf32> to vector<256x1920xf32>
      %sub3A_589 = arith.subf %sub3A_587, %sub3A_588 : vector<256x1920xf32>
      %mul3A_590 = vector.broadcast %get3A_565 : vector<1x1920xf32> to vector<256x1920xf32>
      %mul3A_591 = arith.mulf %mul3A_590, %sub3A_586 : vector<256x1920xf32>
      %mul3A_592 = vector.broadcast %get3A_568 : vector<1x1920xf32> to vector<256x1920xf32>
      %mul3A_593 = arith.mulf %mul3A_592, %sub3A_589 : vector<256x1920xf32>
      %add3A_594 = arith.addf %mul3A_591, %mul3A_593 : vector<256x1920xf32>
      %mul3A_595 = vector.broadcast %get3A_571 : vector<1x1920xf32> to vector<256x1920xf32>
      %mul3A_596 = arith.mulf %mul3A_595, %sub3A_586 : vector<256x1920xf32>
      %mul3A_597 = vector.broadcast %get3A_574 : vector<1x1920xf32> to vector<256x1920xf32>
      %mul3A_598 = arith.mulf %mul3A_597, %sub3A_589 : vector<256x1920xf32>
      %add3A_599 = arith.addf %mul3A_596, %mul3A_598 : vector<256x1920xf32>
      %sub3A_600 = vector.broadcast %get3A_583 : vector<1x1920xf32> to vector<256x1920xf32>
      %sub3A_601 = arith.subf %sub3A_600, %add3A_594 : vector<256x1920xf32>
      %sub3A_602 = arith.subf %sub3A_601, %add3A_599 : vector<256x1920xf32>
      %min3A = arith.minimumf %add3A_599, %sub3A_602 : vector<256x1920xf32>
      %min3A_603 = arith.minimumf %add3A_594, %min3A : vector<256x1920xf32>
      %iota3A_604 = tpu.iota {dimensions = array<i32: 1>} : vector<256x1920xi32>
      %ge3A = arith.constant 0.000000e+00 : f32
      %ge3A_605 = vector.broadcast %ge3A : f32 to vector<256x1920xf32>
      %ge3A_606 = arith.cmpf oge, %min3A_603, %ge3A_605 : vector<256x1920xf32>
      %jit3A_607 = arith.constant 1073741824 : i32
      %broadcast_in_dim3A = vector.broadcast %jit3A_607 : i32 to vector<256x1920xi32>
      %select_n3A_608 = arith.select %ge3A_606, %iota3A_604, %broadcast_in_dim3A : vector<256x1920xi1>, vector<256x1920xi32>
      %reduce_min3A = arith.constant dense<2147483647> : vector<256xi32>
      %reduce_min3A_609 = vector.multi_reduction <minsi>, %select_n3A_608, %reduce_min3A [1] : vector<256x1920xi32> to vector<256xi32>
      %broadcast_in_dim3A_610 = vector.shape_cast %reduce_min3A_609 : vector<256xi32> to vector<256x1xi32>
      %get3A_611 = arith.constant 7 : index
      %get3A_612 = arith.constant 128 : index
      %get3A_613 = vector.load %arg9[%get3A_611, %get3A_612] : memref<8x2048xf32, #tpu.memory_space<vmem>>, vector<1x1920xf32>
      %get3A_614 = arith.constant 0 : index
      %get3A_615 = arith.constant 0 : index
      %get3A_616 = vector.load %arg6[%get3A_614, %get3A_615] : memref<256x1xi32, #tpu.memory_space<vmem>>, vector<256x1xi32>
      %add3A_617 = arith.constant 128 : i32
      %add3A_618 = vector.broadcast %add3A_617 : i32 to vector<256x1xi32>
      %add3A_619 = arith.addi %broadcast_in_dim3A_610, %add3A_618 : vector<256x1xi32>
      %lt3A_620 = arith.cmpi slt, %add3A_619, %get3A_616 : vector<256x1xi32>
      %add3A_621 = arith.constant 128 : i32
      %add3A_622 = vector.broadcast %add3A_621 : i32 to vector<256x1xi32>
      %add3A_623 = arith.addi %broadcast_in_dim3A_610, %add3A_622 : vector<256x1xi32>
      %select_n3A_624 = arith.select %lt3A_620, %add3A_623, %get3A_616 : vector<256x1xi1>, vector<256x1xi32>
      %swap3A_625 = arith.constant 0 : index
      %swap3A_626 = arith.constant 0 : index
      %swap3A_627 = vector.load %arg6[%swap3A_625, %swap3A_626] : memref<256x1xi32, #tpu.memory_space<vmem>>, vector<256x1xi32>
      tpu.vector_store %arg6[%swap3A_625, %swap3A_626], %select_n3A_624 {strides = array<i32>} : memref<256x1xi32, #tpu.memory_space<vmem>>, vector<256x1xi32>,
      %jit3A_628 = arith.constant 0 : i32
      %broadcast_in_dim3A_629 = vector.broadcast %jit3A_628 : i32 to vector<256x1xi32>
      %select_n3A_630 = arith.select %lt3A_620, %broadcast_in_dim3A_629, %get3A_616 : vector<256x1xi1>, vector<256x1xi32>
      %reduce_max3A = vector.shape_cast %select_n3A_630 : vector<256x1xi32> to vector<1x256x1xi32>
      %reduce_max3A_631 = arith.constant dense<-2147483648> : vector<1xi32>
      %reduce_max3A_632 = vector.multi_reduction <maxsi>, %reduce_max3A, %reduce_max3A_631 [1, 2] : vector<1x256x1xi32> to vector<1xi32>
      %reduce_max3A_633 = vector.shape_cast %reduce_max3A_632 : vector<1xi32> to vector<1x1x1xi32>
      %reduce_max3A_634 = vector.extract %reduce_max3A_633[0, 0, 0] : i32 from vector<1x1x1xi32>
      %lt3A_635 = arith.constant 1073741824 : i32
      %lt3A_636 = arith.cmpi slt, %reduce_max3A_634, %lt3A_635 : i32
      %convert_element_type3A_637 = arith.extui %lt3A_636 : i1 to i32
      %swap3A_638 = arith.constant 0 : index
      %swap3A_639 = memref.load %arg8[%swap3A_638] : memref<1xi32, #tpu.memory_space<smem>>
      memref.store %convert_element_type3A_637, %arg8[%swap3A_638] : memref<1xi32, #tpu.memory_space<smem>>
      %convert_element_type3A_640 = arith.extui %lt3A_620 : vector<256x1xi1> to vector<256x1xi32>
      %reduce_max3A_641 = vector.shape_cast %convert_element_type3A_640 : vector<256x1xi32> to vector<1x256x1xi32>
      %reduce_max3A_642 = arith.constant dense<-2147483648> : vector<1xi32>
      %reduce_max3A_643 = vector.multi_reduction <maxsi>, %reduce_max3A_641, %reduce_max3A_642 [1, 2] : vector<1x256x1xi32> to vector<1xi32>
      %reduce_max3A_644 = vector.shape_cast %reduce_max3A_643 : vector<1xi32> to vector<1x1x1xi32>
      %reduce_max3A_645 = vector.extract %reduce_max3A_644[0, 0, 0] : i32 from vector<1x1x1xi32>
      %gt3A = arith.constant 0 : i32
      %gt3A_646 = arith.cmpi sgt, %reduce_max3A_645, %gt3A : i32
      %convert_element_type3A_647 = arith.extui %gt3A_646 : i1 to i32
      %cond3A_648 = arith.constant 0 : i32
      %cond3A_649 = arith.cmpi ne, %convert_element_type3A_647, %cond3A_648 : i32
      scf.if %cond3A_649 {
        %eq3A_650 = vector.broadcast %broadcast_in_dim3A_610 : vector<256x1xi32> to vector<256x1920xi32>
        %eq3A_651 = arith.cmpi eq, %iota3A_604, %eq3A_650 : vector<256x1920xi32>
        %and3A_652 = vector.broadcast %lt3A_620 : vector<256x1xi1> to vector<256x1920xi1>
        %and3A_653 = arith.andi %eq3A_651, %and3A_652 : vector<256x1920xi1>
        %jit3A_654 = arith.constant 0.000000e+00 : f32
        %broadcast_in_dim3A_655 = vector.shape_cast %get3A_613 : vector<1x1920xf32> to vector<1x1920xf32>
        %broadcast_in_dim3A_656 = vector.broadcast %broadcast_in_dim3A_655 : vector<1x1920xf32> to vector<256x1920xf32>
        %broadcast_in_dim3A_657 = vector.broadcast %jit3A_654 : f32 to vector<256x1920xf32>
        %select_n3A_658 = arith.select %and3A_653, %broadcast_in_dim3A_656, %broadcast_in_dim3A_657 : vector<256x1920xi1>, vector<256x1920xf32>
        %mul3A_659 = arith.mulf %select_n3A_658, %add3A_594 : vector<256x1920xf32>
        %mul3A_660 = arith.mulf %select_n3A_658, %add3A_599 : vector<256x1920xf32>
        %mul3A_661 = arith.mulf %select_n3A_658, %sub3A_602 : vector<256x1920xf32>
        %get3A_662 = arith.constant 128 : index
        %get3A_663 = arith.constant 0 : index
        %get3A_664 = vector.load %arg2[%get3A_662, %get3A_663] : memref<2048x3xf32, #tpu.memory_space<vmem>>, vector<1920x3xf32>
        %dot_general3A = arith.constant dense<0.000000e+00> : vector<256x3xf32>
        %dot_general3A_665 = tpu.matmul %mul3A_659, %get3A_664, %dot_general3A {dimension_numbers = #tpu.dot_dimension_numbers<[1], [0], [0], [1], [0, 0, 1, 1], [], []>, transpose_lhs_hint = false} : vector<256x1920xf32>, vector<1920x3xf32>, vector<256x3xf32> -> vector<256x3xf32>
        %get3A_666 = arith.constant 128 : index
        %get3A_667 = arith.constant 0 : index
        %get3A_668 = vector.load %arg3[%get3A_666, %get3A_667] : memref<2048x3xf32, #tpu.memory_space<vmem>>, vector<1920x3xf32>
        %dot_general3A_669 = arith.constant dense<0.000000e+00> : vector<256x3xf32>
        %dot_general3A_670 = tpu.matmul %mul3A_660, %get3A_668, %dot_general3A_669 {dimension_numbers = #tpu.dot_dimension_numbers<[1], [0], [0], [1], [0, 0, 1, 1], [], []>, transpose_lhs_hint = false} : vector<256x1920xf32>, vector<1920x3xf32>, vector<256x3xf32> -> vector<256x3xf32>
        %add3A_671 = arith.addf %dot_general3A_665, %dot_general3A_670 : vector<256x3xf32>
        %get3A_672 = arith.constant 128 : index
        %get3A_673 = arith.constant 0 : index
        %get3A_674 = vector.load %arg4[%get3A_672, %get3A_673] : memref<2048x3xf32, #tpu.memory_space<vmem>>, vector<1920x3xf32>
        %dot_general3A_675 = arith.constant dense<0.000000e+00> : vector<256x3xf32>
        %dot_general3A_676 = tpu.matmul %mul3A_661, %get3A_674, %dot_general3A_675 {dimension_numbers = #tpu.dot_dimension_numbers<[1], [0], [0], [1], [0, 0, 1, 1], [], []>, transpose_lhs_hint = false} : vector<256x1920xf32>, vector<1920x3xf32>, vector<256x3xf32> -> vector<256x3xf32>
        %add3A_677 = arith.addf %add3A_671, %dot_general3A_676 : vector<256x3xf32>
        %get3A_678 = arith.constant 0 : index
        %get3A_679 = arith.constant 0 : index
        %get3A_680 = vector.load %arg7[%get3A_678, %get3A_679] : memref<256x3xf32, #tpu.memory_space<vmem>>, vector<256x3xf32>
        %add3A_681 = arith.addf %get3A_680, %add3A_677 : vector<256x3xf32>
        %swap3A_682 = arith.constant 0 : index
        %swap3A_683 = arith.constant 0 : index
        %swap3A_684 = vector.load %arg7[%swap3A_682, %swap3A_683] : memref<256x3xf32, #tpu.memory_space<vmem>>, vector<256x3xf32>
        tpu.vector_store %arg7[%swap3A_682, %swap3A_683], %add3A_681 {strides = array<i32>} : memref<256x3xf32, #tpu.memory_space<vmem>>, vector<256x3xf32>,
      } else {
      }
    } else {
    }
    %get3A_269 = arith.constant 0 : index
    %get3A_270 = arith.constant 0 : index
    %get3A_271 = vector.load %arg7[%get3A_269, %get3A_270] : memref<256x3xf32, #tpu.memory_space<vmem>>, vector<256x3xf32>
    %swap3A_272 = arith.constant 256 : index
    %swap3A_273 = arith.constant 0 : index
    %swap3A_274 = vector.load %arg5[%swap3A_272, %swap3A_273] : memref<1024x3xf32, #tpu.memory_space<vmem>>, vector<256x3xf32>
    tpu.vector_store %arg5[%swap3A_272, %swap3A_273], %get3A_271 {strides = array<i32>} : memref<1024x3xf32, #tpu.memory_space<vmem>>, vector<256x3xf32>,
    %mul3A_275 = arith.constant 4 : i32
    %mul3A_276 = arith.muli %arg0, %mul3A_275 : i32
    %add3A_277 = arith.constant 2 : i32
    %add3A_278 = arith.addi %mul3A_276, %add3A_277 : i32
    %jit3A_279 = arith.constant 16 : i32
    %div3A_280 = arith.divsi %add3A_278, %jit3A_279 : i32
    %sign3A_281 = arith.constant 0 : i32
    %sign3A_282 = arith.cmpi sgt, %add3A_278, %sign3A_281 : i32
    %sign3A_283 = arith.extui %sign3A_282 : i1 to i32
    %sign3A_284 = arith.constant 0 : i32
    %sign3A_285 = arith.cmpi slt, %add3A_278, %sign3A_284 : i32
    %sign3A_286 = arith.extui %sign3A_285 : i1 to i32
    %sign3A_287 = arith.subi %sign3A_283, %sign3A_286 : i32
    %sign3A_288 = arith.constant 0 : i32
    %sign3A_289 = arith.cmpi sgt, %jit3A_279, %sign3A_288 : i32
    %sign3A_290 = arith.extui %sign3A_289 : i1 to i32
    %sign3A_291 = arith.constant 0 : i32
    %sign3A_292 = arith.cmpi slt, %jit3A_279, %sign3A_291 : i32
    %sign3A_293 = arith.extui %sign3A_292 : i1 to i32
    %sign3A_294 = arith.subi %sign3A_290, %sign3A_293 : i32
    %ne3A_295 = arith.cmpi ne, %sign3A_287, %sign3A_294 : i32
    %rem3A_296 = arith.remsi %add3A_278, %jit3A_279 : i32
    %ne3A_297 = arith.constant 0 : i32
    %ne3A_298 = arith.cmpi ne, %rem3A_296, %ne3A_297 : i32
    %and3A_299 = arith.andi %ne3A_295, %ne3A_298 : i1
    %sub3A_300 = arith.constant 1 : i32
    %sub3A_301 = arith.subi %div3A_280, %sub3A_300 : i32
    %select_n3A_302 = arith.select %and3A_299, %sub3A_301, %div3A_280 : i32
    %jit3A_303 = arith.constant 16 : i32
    %eq3A_304 = arith.constant 0 : i32
    %eq3A_305 = arith.cmpi eq, %jit3A_303, %eq3A_304 : i32
    %jit3A_306 = arith.constant 1 : i32
    %select_n3A_307 = arith.select %eq3A_305, %jit3A_306, %jit3A_303 : i32
    %rem3A_308 = arith.remsi %add3A_278, %select_n3A_307 : i32
    %ne3A_309 = arith.constant 0 : i32
    %ne3A_310 = arith.cmpi ne, %rem3A_308, %ne3A_309 : i32
    %lt3A_311 = arith.constant 0 : i32
    %lt3A_312 = arith.cmpi slt, %rem3A_308, %lt3A_311 : i32
    %lt3A_313 = arith.constant 0 : i32
    %lt3A_314 = arith.cmpi slt, %select_n3A_307, %lt3A_313 : i32
    %ne3A_315 = arith.xori %lt3A_312, %lt3A_314 : i1
    %and3A_316 = arith.andi %ne3A_315, %ne3A_310 : i1
    %add3A_317 = arith.addi %rem3A_308, %select_n3A_307 : i32
    %select_n3A_318 = arith.select %and3A_316, %add3A_317, %rem3A_308 : i32
    %iota3A_319 = tpu.iota {dimensions = array<i32: 0>} : vector<256x1xi32>
    %mul3A_320 = arith.constant 16 : i32
    %mul3A_321 = arith.muli %select_n3A_318, %mul3A_320 : i32
    %jit3A_322 = arith.constant 16 : i32
    %eq3A_323 = arith.constant 0 : i32
    %eq3A_324 = arith.cmpi eq, %jit3A_322, %eq3A_323 : i32
    %jit3A_325 = arith.constant 1 : i32
    %select_n3A_326 = arith.select %eq3A_324, %jit3A_325, %jit3A_322 : i32
    %rem3A_327 = vector.broadcast %select_n3A_326 : i32 to vector<256x1xi32>
    %rem3A_328 = arith.remsi %iota3A_319, %rem3A_327 : vector<256x1xi32>
    %ne3A_329 = arith.constant 0 : i32
    %ne3A_330 = vector.broadcast %ne3A_329 : i32 to vector<256x1xi32>
    %ne3A_331 = arith.cmpi ne, %rem3A_328, %ne3A_330 : vector<256x1xi32>
    %lt3A_332 = arith.constant 0 : i32
    %lt3A_333 = vector.broadcast %lt3A_332 : i32 to vector<256x1xi32>
    %lt3A_334 = arith.cmpi slt, %rem3A_328, %lt3A_333 : vector<256x1xi32>
    %lt3A_335 = arith.constant 0 : i32
    %lt3A_336 = arith.cmpi slt, %select_n3A_326, %lt3A_335 : i32
    %ne3A_337 = vector.broadcast %lt3A_336 : i1 to vector<256x1xi1>
    %ne3A_338 = vector.broadcast %ne3A_337 : vector<256x1xi1> to vector<256x1xi1>
    %ne3A_339 = arith.xori %lt3A_334, %ne3A_338 : vector<256x1xi1>
    %and3A_340 = arith.andi %ne3A_339, %ne3A_331 : vector<256x1xi1>
    %add3A_341 = vector.broadcast %select_n3A_326 : i32 to vector<256x1xi32>
    %add3A_342 = arith.addi %rem3A_328, %add3A_341 : vector<256x1xi32>
    %select_n3A_343 = arith.select %and3A_340, %add3A_342, %rem3A_328 : vector<256x1xi1>, vector<256x1xi32>
    %add3A_344 = vector.broadcast %mul3A_321 : i32 to vector<256x1xi32>
    %add3A_345 = arith.addi %add3A_344, %select_n3A_343 : vector<256x1xi32>
    %mul3A_346 = arith.constant 16 : i32
    %mul3A_347 = arith.muli %select_n3A_302, %mul3A_346 : i32
    %jit3A_348 = arith.constant 16 : i32
    %div3A_349 = vector.broadcast %jit3A_348 : i32 to vector<256x1xi32>
    %div3A_350 = arith.divsi %iota3A_319, %div3A_349 : vector<256x1xi32>
    %sign3A_351 = arith.constant 0 : i32
    %sign3A_352 = vector.broadcast %sign3A_351 : i32 to vector<256x1xi32>
    %sign3A_353 = arith.cmpi sgt, %iota3A_319, %sign3A_352 : vector<256x1xi32>
    %sign3A_354 = arith.extui %sign3A_353 : vector<256x1xi1> to vector<256x1xi32>
    %sign3A_355 = arith.constant 0 : i32
    %sign3A_356 = vector.broadcast %sign3A_355 : i32 to vector<256x1xi32>
    %sign3A_357 = arith.cmpi slt, %iota3A_319, %sign3A_356 : vector<256x1xi32>
    %sign3A_358 = arith.extui %sign3A_357 : vector<256x1xi1> to vector<256x1xi32>
    %sign3A_359 = arith.subi %sign3A_354, %sign3A_358 : vector<256x1xi32>
    %sign3A_360 = arith.constant 0 : i32
    %sign3A_361 = arith.cmpi sgt, %jit3A_348, %sign3A_360 : i32
    %sign3A_362 = arith.extui %sign3A_361 : i1 to i32
    %sign3A_363 = arith.constant 0 : i32
    %sign3A_364 = arith.cmpi slt, %jit3A_348, %sign3A_363 : i32
    %sign3A_365 = arith.extui %sign3A_364 : i1 to i32
    %sign3A_366 = arith.subi %sign3A_362, %sign3A_365 : i32
    %ne3A_367 = vector.broadcast %sign3A_366 : i32 to vector<256x1xi32>
    %ne3A_368 = arith.cmpi ne, %sign3A_359, %ne3A_367 : vector<256x1xi32>
    %rem3A_369 = vector.broadcast %jit3A_348 : i32 to vector<256x1xi32>
    %rem3A_370 = arith.remsi %iota3A_319, %rem3A_369 : vector<256x1xi32>
    %ne3A_371 = arith.constant 0 : i32
    %ne3A_372 = vector.broadcast %ne3A_371 : i32 to vector<256x1xi32>
    %ne3A_373 = arith.cmpi ne, %rem3A_370, %ne3A_372 : vector<256x1xi32>
    %and3A_374 = arith.andi %ne3A_368, %ne3A_373 : vector<256x1xi1>
    %sub3A_375 = arith.constant 1 : i32
    %sub3A_376 = vector.broadcast %sub3A_375 : i32 to vector<256x1xi32>
    %sub3A_377 = arith.subi %div3A_350, %sub3A_376 : vector<256x1xi32>
    %select_n3A_378 = arith.select %and3A_374, %sub3A_377, %div3A_350 : vector<256x1xi1>, vector<256x1xi32>
    %add3A_379 = vector.broadcast %mul3A_347 : i32 to vector<256x1xi32>
    %add3A_380 = arith.addi %add3A_379, %select_n3A_378 : vector<256x1xi32>
    %convert_element_type3A_381 = arith.sitofp %add3A_345 : vector<256x1xi32> to vector<256x1xf32>
    %add3A_382 = arith.constant 5.000000e-01 : f32
    %add3A_383 = vector.broadcast %add3A_382 : f32 to vector<256x1xf32>
    %add3A_384 = arith.addf %convert_element_type3A_381, %add3A_383 : vector<256x1xf32>
    %div3A_385 = arith.constant 2.560000e+02 : f32
    %div3A_386 = vector.broadcast %div3A_385 : f32 to vector<256x1xf32>
    %div3A_387 = arith.divf %add3A_384, %div3A_386 : vector<256x1xf32>
    %convert_element_type3A_388 = arith.sitofp %add3A_380 : vector<256x1xi32> to vector<256x1xf32>
    %add3A_389 = arith.constant 5.000000e-01 : f32
    %add3A_390 = vector.broadcast %add3A_389 : f32 to vector<256x1xf32>
    %add3A_391 = arith.addf %convert_element_type3A_388, %add3A_390 : vector<256x1xf32>
    %div3A_392 = arith.constant 2.560000e+02 : f32
    %div3A_393 = vector.broadcast %div3A_392 : f32 to vector<256x1xf32>
    %div3A_394 = arith.divf %add3A_391, %div3A_393 : vector<256x1xf32>
    %get3A_395 = arith.constant 0 : index
    %get3A_396 = memref.load %arg8[%get3A_395] : memref<1xi32, #tpu.memory_space<smem>>
    %eq3A_397 = arith.constant 0 : i32
    %eq3A_398 = arith.cmpi eq, %get3A_396, %eq3A_397 : i32
    %or3A_399 = arith.constant true
    %or3A_400 = arith.ori %or3A_399, %eq3A_398 : i1
    %convert_element_type3A_401 = arith.extui %or3A_400 : i1 to i32
    %cond3A_402 = arith.constant 0 : i32
    %cond3A_403 = arith.cmpi ne, %convert_element_type3A_401, %cond3A_402 : i32
    scf.if %cond3A_403 {
      %get3A_563 = arith.constant 0 : index
      %get3A_564 = arith.constant 0 : index
      %get3A_565 = vector.load %arg9[%get3A_563, %get3A_564] : memref<8x2048xf32, #tpu.memory_space<vmem>>, vector<1x128xf32>
      %get3A_566 = arith.constant 1 : index
      %get3A_567 = arith.constant 0 : index
      %get3A_568 = vector.load %arg9[%get3A_566, %get3A_567] : memref<8x2048xf32, #tpu.memory_space<vmem>>, vector<1x128xf32>
      %get3A_569 = arith.constant 2 : index
      %get3A_570 = arith.constant 0 : index
      %get3A_571 = vector.load %arg9[%get3A_569, %get3A_570] : memref<8x2048xf32, #tpu.memory_space<vmem>>, vector<1x128xf32>
      %get3A_572 = arith.constant 3 : index
      %get3A_573 = arith.constant 0 : index
      %get3A_574 = vector.load %arg9[%get3A_572, %get3A_573] : memref<8x2048xf32, #tpu.memory_space<vmem>>, vector<1x128xf32>
      %get3A_575 = arith.constant 4 : index
      %get3A_576 = arith.constant 0 : index
      %get3A_577 = vector.load %arg9[%get3A_575, %get3A_576] : memref<8x2048xf32, #tpu.memory_space<vmem>>, vector<1x128xf32>
      %get3A_578 = arith.constant 5 : index
      %get3A_579 = arith.constant 0 : index
      %get3A_580 = vector.load %arg9[%get3A_578, %get3A_579] : memref<8x2048xf32, #tpu.memory_space<vmem>>, vector<1x128xf32>
      %get3A_581 = arith.constant 6 : index
      %get3A_582 = arith.constant 0 : index
      %get3A_583 = vector.load %arg9[%get3A_581, %get3A_582] : memref<8x2048xf32, #tpu.memory_space<vmem>>, vector<1x128xf32>
      %sub3A_584 = vector.broadcast %div3A_387 : vector<256x1xf32> to vector<256x128xf32>
      %sub3A_585 = vector.broadcast %get3A_577 : vector<1x128xf32> to vector<256x128xf32>
      %sub3A_586 = arith.subf %sub3A_584, %sub3A_585 : vector<256x128xf32>
      %sub3A_587 = vector.broadcast %div3A_394 : vector<256x1xf32> to vector<256x128xf32>
      %sub3A_588 = vector.broadcast %get3A_580 : vector<1x128xf32> to vector<256x128xf32>
      %sub3A_589 = arith.subf %sub3A_587, %sub3A_588 : vector<256x128xf32>
      %mul3A_590 = vector.broadcast %get3A_565 : vector<1x128xf32> to vector<256x128xf32>
      %mul3A_591 = arith.mulf %mul3A_590, %sub3A_586 : vector<256x128xf32>
      %mul3A_592 = vector.broadcast %get3A_568 : vector<1x128xf32> to vector<256x128xf32>
      %mul3A_593 = arith.mulf %mul3A_592, %sub3A_589 : vector<256x128xf32>
      %add3A_594 = arith.addf %mul3A_591, %mul3A_593 : vector<256x128xf32>
      %mul3A_595 = vector.broadcast %get3A_571 : vector<1x128xf32> to vector<256x128xf32>
      %mul3A_596 = arith.mulf %mul3A_595, %sub3A_586 : vector<256x128xf32>
      %mul3A_597 = vector.broadcast %get3A_574 : vector<1x128xf32> to vector<256x128xf32>
      %mul3A_598 = arith.mulf %mul3A_597, %sub3A_589 : vector<256x128xf32>
      %add3A_599 = arith.addf %mul3A_596, %mul3A_598 : vector<256x128xf32>
      %sub3A_600 = vector.broadcast %get3A_583 : vector<1x128xf32> to vector<256x128xf32>
      %sub3A_601 = arith.subf %sub3A_600, %add3A_594 : vector<256x128xf32>
      %sub3A_602 = arith.subf %sub3A_601, %add3A_599 : vector<256x128xf32>
      %min3A = arith.minimumf %add3A_599, %sub3A_602 : vector<256x128xf32>
      %min3A_603 = arith.minimumf %add3A_594, %min3A : vector<256x128xf32>
      %iota3A_604 = tpu.iota {dimensions = array<i32: 1>} : vector<256x128xi32>
      %ge3A = arith.constant 0.000000e+00 : f32
      %ge3A_605 = vector.broadcast %ge3A : f32 to vector<256x128xf32>
      %ge3A_606 = arith.cmpf oge, %min3A_603, %ge3A_605 : vector<256x128xf32>
      %jit3A_607 = arith.constant 1073741824 : i32
      %broadcast_in_dim3A = vector.broadcast %jit3A_607 : i32 to vector<256x128xi32>
      %select_n3A_608 = arith.select %ge3A_606, %iota3A_604, %broadcast_in_dim3A : vector<256x128xi1>, vector<256x128xi32>
      %reduce_min3A = arith.constant dense<2147483647> : vector<256xi32>
      %reduce_min3A_609 = vector.multi_reduction <minsi>, %select_n3A_608, %reduce_min3A [1] : vector<256x128xi32> to vector<256xi32>
      %broadcast_in_dim3A_610 = vector.shape_cast %reduce_min3A_609 : vector<256xi32> to vector<256x1xi32>
      %get3A_611 = arith.constant 7 : index
      %get3A_612 = arith.constant 0 : index
      %get3A_613 = vector.load %arg9[%get3A_611, %get3A_612] : memref<8x2048xf32, #tpu.memory_space<vmem>>, vector<1x128xf32>
      %swap3A_614 = arith.constant 0 : index
      %swap3A_615 = arith.constant 0 : index
      %swap3A_616 = vector.load %arg6[%swap3A_614, %swap3A_615] : memref<256x1xi32, #tpu.memory_space<vmem>>, vector<256x1xi32>
      tpu.vector_store %arg6[%swap3A_614, %swap3A_615], %broadcast_in_dim3A_610 {strides = array<i32>} : memref<256x1xi32, #tpu.memory_space<vmem>>, vector<256x1xi32>,
      %reduce_max3A = vector.shape_cast %broadcast_in_dim3A_610 : vector<256x1xi32> to vector<1x256x1xi32>
      %reduce_max3A_617 = arith.constant dense<-2147483648> : vector<1xi32>
      %reduce_max3A_618 = vector.multi_reduction <maxsi>, %reduce_max3A, %reduce_max3A_617 [1, 2] : vector<1x256x1xi32> to vector<1xi32>
      %reduce_max3A_619 = vector.shape_cast %reduce_max3A_618 : vector<1xi32> to vector<1x1x1xi32>
      %reduce_max3A_620 = vector.extract %reduce_max3A_619[0, 0, 0] : i32 from vector<1x1x1xi32>
      %lt3A_621 = arith.constant 1073741824 : i32
      %lt3A_622 = arith.cmpi slt, %reduce_max3A_620, %lt3A_621 : i32
      %convert_element_type3A_623 = arith.extui %lt3A_622 : i1 to i32
      %swap3A_624 = arith.constant 0 : index
      %swap3A_625 = memref.load %arg8[%swap3A_624] : memref<1xi32, #tpu.memory_space<smem>>
      memref.store %convert_element_type3A_623, %arg8[%swap3A_624] : memref<1xi32, #tpu.memory_space<smem>>
      %eq3A_626 = vector.broadcast %broadcast_in_dim3A_610 : vector<256x1xi32> to vector<256x128xi32>
      %eq3A_627 = arith.cmpi eq, %iota3A_604, %eq3A_626 : vector<256x128xi32>
      %jit3A_628 = arith.constant 0.000000e+00 : f32
      %broadcast_in_dim3A_629 = vector.shape_cast %get3A_613 : vector<1x128xf32> to vector<1x128xf32>
      %broadcast_in_dim3A_630 = vector.broadcast %broadcast_in_dim3A_629 : vector<1x128xf32> to vector<256x128xf32>
      %broadcast_in_dim3A_631 = vector.broadcast %jit3A_628 : f32 to vector<256x128xf32>
      %select_n3A_632 = arith.select %eq3A_627, %broadcast_in_dim3A_630, %broadcast_in_dim3A_631 : vector<256x128xi1>, vector<256x128xf32>
      %mul3A_633 = arith.mulf %select_n3A_632, %add3A_594 : vector<256x128xf32>
      %mul3A_634 = arith.mulf %select_n3A_632, %add3A_599 : vector<256x128xf32>
      %mul3A_635 = arith.mulf %select_n3A_632, %sub3A_602 : vector<256x128xf32>
      %get3A_636 = arith.constant 0 : index
      %get3A_637 = arith.constant 0 : index
      %get3A_638 = vector.load %arg2[%get3A_636, %get3A_637] : memref<2048x3xf32, #tpu.memory_space<vmem>>, vector<128x3xf32>
      %dot_general3A = arith.constant dense<0.000000e+00> : vector<256x3xf32>
      %dot_general3A_639 = tpu.matmul %mul3A_633, %get3A_638, %dot_general3A {dimension_numbers = #tpu.dot_dimension_numbers<[1], [0], [0], [1], [0, 0, 1, 1], [], []>, transpose_lhs_hint = false} : vector<256x128xf32>, vector<128x3xf32>, vector<256x3xf32> -> vector<256x3xf32>
      %get3A_640 = arith.constant 0 : index
      %get3A_641 = arith.constant 0 : index
      %get3A_642 = vector.load %arg3[%get3A_640, %get3A_641] : memref<2048x3xf32, #tpu.memory_space<vmem>>, vector<128x3xf32>
      %dot_general3A_643 = arith.constant dense<0.000000e+00> : vector<256x3xf32>
      %dot_general3A_644 = tpu.matmul %mul3A_634, %get3A_642, %dot_general3A_643 {dimension_numbers = #tpu.dot_dimension_numbers<[1], [0], [0], [1], [0, 0, 1, 1], [], []>, transpose_lhs_hint = false} : vector<256x128xf32>, vector<128x3xf32>, vector<256x3xf32> -> vector<256x3xf32>
      %add3A_645 = arith.addf %dot_general3A_639, %dot_general3A_644 : vector<256x3xf32>
      %get3A_646 = arith.constant 0 : index
      %get3A_647 = arith.constant 0 : index
      %get3A_648 = vector.load %arg4[%get3A_646, %get3A_647] : memref<2048x3xf32, #tpu.memory_space<vmem>>, vector<128x3xf32>
      %dot_general3A_649 = arith.constant dense<0.000000e+00> : vector<256x3xf32>
      %dot_general3A_650 = tpu.matmul %mul3A_635, %get3A_648, %dot_general3A_649 {dimension_numbers = #tpu.dot_dimension_numbers<[1], [0], [0], [1], [0, 0, 1, 1], [], []>, transpose_lhs_hint = false} : vector<256x128xf32>, vector<128x3xf32>, vector<256x3xf32> -> vector<256x3xf32>
      %add3A_651 = arith.addf %add3A_645, %dot_general3A_650 : vector<256x3xf32>
      %swap3A_652 = arith.constant 0 : index
      %swap3A_653 = arith.constant 0 : index
      %swap3A_654 = vector.load %arg7[%swap3A_652, %swap3A_653] : memref<256x3xf32, #tpu.memory_space<vmem>>, vector<256x3xf32>
      tpu.vector_store %arg7[%swap3A_652, %swap3A_653], %add3A_651 {strides = array<i32>} : memref<256x3xf32, #tpu.memory_space<vmem>>, vector<256x3xf32>,
    } else {
    }
    %get3A_404 = arith.constant 0 : index
    %get3A_405 = memref.load %arg8[%get3A_404] : memref<1xi32, #tpu.memory_space<smem>>
    %eq3A_406 = arith.constant 0 : i32
    %eq3A_407 = arith.cmpi eq, %get3A_405, %eq3A_406 : i32
    %or3A_408 = arith.constant false
    %or3A_409 = arith.ori %or3A_408, %eq3A_407 : i1
    %convert_element_type3A_410 = arith.extui %or3A_409 : i1 to i32
    %cond3A_411 = arith.constant 0 : i32
    %cond3A_412 = arith.cmpi ne, %convert_element_type3A_410, %cond3A_411 : i32
    scf.if %cond3A_412 {
      %get3A_563 = arith.constant 0 : index
      %get3A_564 = arith.constant 128 : index
      %get3A_565 = vector.load %arg9[%get3A_563, %get3A_564] : memref<8x2048xf32, #tpu.memory_space<vmem>>, vector<1x1920xf32>
      %get3A_566 = arith.constant 1 : index
      %get3A_567 = arith.constant 128 : index
      %get3A_568 = vector.load %arg9[%get3A_566, %get3A_567] : memref<8x2048xf32, #tpu.memory_space<vmem>>, vector<1x1920xf32>
      %get3A_569 = arith.constant 2 : index
      %get3A_570 = arith.constant 128 : index
      %get3A_571 = vector.load %arg9[%get3A_569, %get3A_570] : memref<8x2048xf32, #tpu.memory_space<vmem>>, vector<1x1920xf32>
      %get3A_572 = arith.constant 3 : index
      %get3A_573 = arith.constant 128 : index
      %get3A_574 = vector.load %arg9[%get3A_572, %get3A_573] : memref<8x2048xf32, #tpu.memory_space<vmem>>, vector<1x1920xf32>
      %get3A_575 = arith.constant 4 : index
      %get3A_576 = arith.constant 128 : index
      %get3A_577 = vector.load %arg9[%get3A_575, %get3A_576] : memref<8x2048xf32, #tpu.memory_space<vmem>>, vector<1x1920xf32>
      %get3A_578 = arith.constant 5 : index
      %get3A_579 = arith.constant 128 : index
      %get3A_580 = vector.load %arg9[%get3A_578, %get3A_579] : memref<8x2048xf32, #tpu.memory_space<vmem>>, vector<1x1920xf32>
      %get3A_581 = arith.constant 6 : index
      %get3A_582 = arith.constant 128 : index
      %get3A_583 = vector.load %arg9[%get3A_581, %get3A_582] : memref<8x2048xf32, #tpu.memory_space<vmem>>, vector<1x1920xf32>
      %sub3A_584 = vector.broadcast %div3A_387 : vector<256x1xf32> to vector<256x1920xf32>
      %sub3A_585 = vector.broadcast %get3A_577 : vector<1x1920xf32> to vector<256x1920xf32>
      %sub3A_586 = arith.subf %sub3A_584, %sub3A_585 : vector<256x1920xf32>
      %sub3A_587 = vector.broadcast %div3A_394 : vector<256x1xf32> to vector<256x1920xf32>
      %sub3A_588 = vector.broadcast %get3A_580 : vector<1x1920xf32> to vector<256x1920xf32>
      %sub3A_589 = arith.subf %sub3A_587, %sub3A_588 : vector<256x1920xf32>
      %mul3A_590 = vector.broadcast %get3A_565 : vector<1x1920xf32> to vector<256x1920xf32>
      %mul3A_591 = arith.mulf %mul3A_590, %sub3A_586 : vector<256x1920xf32>
      %mul3A_592 = vector.broadcast %get3A_568 : vector<1x1920xf32> to vector<256x1920xf32>
      %mul3A_593 = arith.mulf %mul3A_592, %sub3A_589 : vector<256x1920xf32>
      %add3A_594 = arith.addf %mul3A_591, %mul3A_593 : vector<256x1920xf32>
      %mul3A_595 = vector.broadcast %get3A_571 : vector<1x1920xf32> to vector<256x1920xf32>
      %mul3A_596 = arith.mulf %mul3A_595, %sub3A_586 : vector<256x1920xf32>
      %mul3A_597 = vector.broadcast %get3A_574 : vector<1x1920xf32> to vector<256x1920xf32>
      %mul3A_598 = arith.mulf %mul3A_597, %sub3A_589 : vector<256x1920xf32>
      %add3A_599 = arith.addf %mul3A_596, %mul3A_598 : vector<256x1920xf32>
      %sub3A_600 = vector.broadcast %get3A_583 : vector<1x1920xf32> to vector<256x1920xf32>
      %sub3A_601 = arith.subf %sub3A_600, %add3A_594 : vector<256x1920xf32>
      %sub3A_602 = arith.subf %sub3A_601, %add3A_599 : vector<256x1920xf32>
      %min3A = arith.minimumf %add3A_599, %sub3A_602 : vector<256x1920xf32>
      %min3A_603 = arith.minimumf %add3A_594, %min3A : vector<256x1920xf32>
      %iota3A_604 = tpu.iota {dimensions = array<i32: 1>} : vector<256x1920xi32>
      %ge3A = arith.constant 0.000000e+00 : f32
      %ge3A_605 = vector.broadcast %ge3A : f32 to vector<256x1920xf32>
      %ge3A_606 = arith.cmpf oge, %min3A_603, %ge3A_605 : vector<256x1920xf32>
      %jit3A_607 = arith.constant 1073741824 : i32
      %broadcast_in_dim3A = vector.broadcast %jit3A_607 : i32 to vector<256x1920xi32>
      %select_n3A_608 = arith.select %ge3A_606, %iota3A_604, %broadcast_in_dim3A : vector<256x1920xi1>, vector<256x1920xi32>
      %reduce_min3A = arith.constant dense<2147483647> : vector<256xi32>
      %reduce_min3A_609 = vector.multi_reduction <minsi>, %select_n3A_608, %reduce_min3A [1] : vector<256x1920xi32> to vector<256xi32>
      %broadcast_in_dim3A_610 = vector.shape_cast %reduce_min3A_609 : vector<256xi32> to vector<256x1xi32>
      %get3A_611 = arith.constant 7 : index
      %get3A_612 = arith.constant 128 : index
      %get3A_613 = vector.load %arg9[%get3A_611, %get3A_612] : memref<8x2048xf32, #tpu.memory_space<vmem>>, vector<1x1920xf32>
      %get3A_614 = arith.constant 0 : index
      %get3A_615 = arith.constant 0 : index
      %get3A_616 = vector.load %arg6[%get3A_614, %get3A_615] : memref<256x1xi32, #tpu.memory_space<vmem>>, vector<256x1xi32>
      %add3A_617 = arith.constant 128 : i32
      %add3A_618 = vector.broadcast %add3A_617 : i32 to vector<256x1xi32>
      %add3A_619 = arith.addi %broadcast_in_dim3A_610, %add3A_618 : vector<256x1xi32>
      %lt3A_620 = arith.cmpi slt, %add3A_619, %get3A_616 : vector<256x1xi32>
      %add3A_621 = arith.constant 128 : i32
      %add3A_622 = vector.broadcast %add3A_621 : i32 to vector<256x1xi32>
      %add3A_623 = arith.addi %broadcast_in_dim3A_610, %add3A_622 : vector<256x1xi32>
      %select_n3A_624 = arith.select %lt3A_620, %add3A_623, %get3A_616 : vector<256x1xi1>, vector<256x1xi32>
      %swap3A_625 = arith.constant 0 : index
      %swap3A_626 = arith.constant 0 : index
      %swap3A_627 = vector.load %arg6[%swap3A_625, %swap3A_626] : memref<256x1xi32, #tpu.memory_space<vmem>>, vector<256x1xi32>
      tpu.vector_store %arg6[%swap3A_625, %swap3A_626], %select_n3A_624 {strides = array<i32>} : memref<256x1xi32, #tpu.memory_space<vmem>>, vector<256x1xi32>,
      %jit3A_628 = arith.constant 0 : i32
      %broadcast_in_dim3A_629 = vector.broadcast %jit3A_628 : i32 to vector<256x1xi32>
      %select_n3A_630 = arith.select %lt3A_620, %broadcast_in_dim3A_629, %get3A_616 : vector<256x1xi1>, vector<256x1xi32>
      %reduce_max3A = vector.shape_cast %select_n3A_630 : vector<256x1xi32> to vector<1x256x1xi32>
      %reduce_max3A_631 = arith.constant dense<-2147483648> : vector<1xi32>
      %reduce_max3A_632 = vector.multi_reduction <maxsi>, %reduce_max3A, %reduce_max3A_631 [1, 2] : vector<1x256x1xi32> to vector<1xi32>
      %reduce_max3A_633 = vector.shape_cast %reduce_max3A_632 : vector<1xi32> to vector<1x1x1xi32>
      %reduce_max3A_634 = vector.extract %reduce_max3A_633[0, 0, 0] : i32 from vector<1x1x1xi32>
      %lt3A_635 = arith.constant 1073741824 : i32
      %lt3A_636 = arith.cmpi slt, %reduce_max3A_634, %lt3A_635 : i32
      %convert_element_type3A_637 = arith.extui %lt3A_636 : i1 to i32
      %swap3A_638 = arith.constant 0 : index
      %swap3A_639 = memref.load %arg8[%swap3A_638] : memref<1xi32, #tpu.memory_space<smem>>
      memref.store %convert_element_type3A_637, %arg8[%swap3A_638] : memref<1xi32, #tpu.memory_space<smem>>
      %convert_element_type3A_640 = arith.extui %lt3A_620 : vector<256x1xi1> to vector<256x1xi32>
      %reduce_max3A_641 = vector.shape_cast %convert_element_type3A_640 : vector<256x1xi32> to vector<1x256x1xi32>
      %reduce_max3A_642 = arith.constant dense<-2147483648> : vector<1xi32>
      %reduce_max3A_643 = vector.multi_reduction <maxsi>, %reduce_max3A_641, %reduce_max3A_642 [1, 2] : vector<1x256x1xi32> to vector<1xi32>
      %reduce_max3A_644 = vector.shape_cast %reduce_max3A_643 : vector<1xi32> to vector<1x1x1xi32>
      %reduce_max3A_645 = vector.extract %reduce_max3A_644[0, 0, 0] : i32 from vector<1x1x1xi32>
      %gt3A = arith.constant 0 : i32
      %gt3A_646 = arith.cmpi sgt, %reduce_max3A_645, %gt3A : i32
      %convert_element_type3A_647 = arith.extui %gt3A_646 : i1 to i32
      %cond3A_648 = arith.constant 0 : i32
      %cond3A_649 = arith.cmpi ne, %convert_element_type3A_647, %cond3A_648 : i32
      scf.if %cond3A_649 {
        %eq3A_650 = vector.broadcast %broadcast_in_dim3A_610 : vector<256x1xi32> to vector<256x1920xi32>
        %eq3A_651 = arith.cmpi eq, %iota3A_604, %eq3A_650 : vector<256x1920xi32>
        %and3A_652 = vector.broadcast %lt3A_620 : vector<256x1xi1> to vector<256x1920xi1>
        %and3A_653 = arith.andi %eq3A_651, %and3A_652 : vector<256x1920xi1>
        %jit3A_654 = arith.constant 0.000000e+00 : f32
        %broadcast_in_dim3A_655 = vector.shape_cast %get3A_613 : vector<1x1920xf32> to vector<1x1920xf32>
        %broadcast_in_dim3A_656 = vector.broadcast %broadcast_in_dim3A_655 : vector<1x1920xf32> to vector<256x1920xf32>
        %broadcast_in_dim3A_657 = vector.broadcast %jit3A_654 : f32 to vector<256x1920xf32>
        %select_n3A_658 = arith.select %and3A_653, %broadcast_in_dim3A_656, %broadcast_in_dim3A_657 : vector<256x1920xi1>, vector<256x1920xf32>
        %mul3A_659 = arith.mulf %select_n3A_658, %add3A_594 : vector<256x1920xf32>
        %mul3A_660 = arith.mulf %select_n3A_658, %add3A_599 : vector<256x1920xf32>
        %mul3A_661 = arith.mulf %select_n3A_658, %sub3A_602 : vector<256x1920xf32>
        %get3A_662 = arith.constant 128 : index
        %get3A_663 = arith.constant 0 : index
        %get3A_664 = vector.load %arg2[%get3A_662, %get3A_663] : memref<2048x3xf32, #tpu.memory_space<vmem>>, vector<1920x3xf32>
        %dot_general3A = arith.constant dense<0.000000e+00> : vector<256x3xf32>
        %dot_general3A_665 = tpu.matmul %mul3A_659, %get3A_664, %dot_general3A {dimension_numbers = #tpu.dot_dimension_numbers<[1], [0], [0], [1], [0, 0, 1, 1], [], []>, transpose_lhs_hint = false} : vector<256x1920xf32>, vector<1920x3xf32>, vector<256x3xf32> -> vector<256x3xf32>
        %get3A_666 = arith.constant 128 : index
        %get3A_667 = arith.constant 0 : index
        %get3A_668 = vector.load %arg3[%get3A_666, %get3A_667] : memref<2048x3xf32, #tpu.memory_space<vmem>>, vector<1920x3xf32>
        %dot_general3A_669 = arith.constant dense<0.000000e+00> : vector<256x3xf32>
        %dot_general3A_670 = tpu.matmul %mul3A_660, %get3A_668, %dot_general3A_669 {dimension_numbers = #tpu.dot_dimension_numbers<[1], [0], [0], [1], [0, 0, 1, 1], [], []>, transpose_lhs_hint = false} : vector<256x1920xf32>, vector<1920x3xf32>, vector<256x3xf32> -> vector<256x3xf32>
        %add3A_671 = arith.addf %dot_general3A_665, %dot_general3A_670 : vector<256x3xf32>
        %get3A_672 = arith.constant 128 : index
        %get3A_673 = arith.constant 0 : index
        %get3A_674 = vector.load %arg4[%get3A_672, %get3A_673] : memref<2048x3xf32, #tpu.memory_space<vmem>>, vector<1920x3xf32>
        %dot_general3A_675 = arith.constant dense<0.000000e+00> : vector<256x3xf32>
        %dot_general3A_676 = tpu.matmul %mul3A_661, %get3A_674, %dot_general3A_675 {dimension_numbers = #tpu.dot_dimension_numbers<[1], [0], [0], [1], [0, 0, 1, 1], [], []>, transpose_lhs_hint = false} : vector<256x1920xf32>, vector<1920x3xf32>, vector<256x3xf32> -> vector<256x3xf32>
        %add3A_677 = arith.addf %add3A_671, %dot_general3A_676 : vector<256x3xf32>
        %get3A_678 = arith.constant 0 : index
        %get3A_679 = arith.constant 0 : index
        %get3A_680 = vector.load %arg7[%get3A_678, %get3A_679] : memref<256x3xf32, #tpu.memory_space<vmem>>, vector<256x3xf32>
        %add3A_681 = arith.addf %get3A_680, %add3A_677 : vector<256x3xf32>
        %swap3A_682 = arith.constant 0 : index
        %swap3A_683 = arith.constant 0 : index
        %swap3A_684 = vector.load %arg7[%swap3A_682, %swap3A_683] : memref<256x3xf32, #tpu.memory_space<vmem>>, vector<256x3xf32>
        tpu.vector_store %arg7[%swap3A_682, %swap3A_683], %add3A_681 {strides = array<i32>} : memref<256x3xf32, #tpu.memory_space<vmem>>, vector<256x3xf32>,
      } else {
      }
    } else {
    }
    %get3A_413 = arith.constant 0 : index
    %get3A_414 = arith.constant 0 : index
    %get3A_415 = vector.load %arg7[%get3A_413, %get3A_414] : memref<256x3xf32, #tpu.memory_space<vmem>>, vector<256x3xf32>
    %swap3A_416 = arith.constant 512 : index
    %swap3A_417 = arith.constant 0 : index
    %swap3A_418 = vector.load %arg5[%swap3A_416, %swap3A_417] : memref<1024x3xf32, #tpu.memory_space<vmem>>, vector<256x3xf32>
    tpu.vector_store %arg5[%swap3A_416, %swap3A_417], %get3A_415 {strides = array<i32>} : memref<1024x3xf32, #tpu.memory_space<vmem>>, vector<256x3xf32>,
    %mul3A_419 = arith.constant 4 : i32
    %mul3A_420 = arith.muli %arg0, %mul3A_419 : i32
    %add3A_421 = arith.constant 3 : i32
    %add3A_422 = arith.addi %mul3A_420, %add3A_421 : i32
    %jit3A_423 = arith.constant 16 : i32
    %div3A_424 = arith.divsi %add3A_422, %jit3A_423 : i32
    %sign3A_425 = arith.constant 0 : i32
    %sign3A_426 = arith.cmpi sgt, %add3A_422, %sign3A_425 : i32
    %sign3A_427 = arith.extui %sign3A_426 : i1 to i32
    %sign3A_428 = arith.constant 0 : i32
    %sign3A_429 = arith.cmpi slt, %add3A_422, %sign3A_428 : i32
    %sign3A_430 = arith.extui %sign3A_429 : i1 to i32
    %sign3A_431 = arith.subi %sign3A_427, %sign3A_430 : i32
    %sign3A_432 = arith.constant 0 : i32
    %sign3A_433 = arith.cmpi sgt, %jit3A_423, %sign3A_432 : i32
    %sign3A_434 = arith.extui %sign3A_433 : i1 to i32
    %sign3A_435 = arith.constant 0 : i32
    %sign3A_436 = arith.cmpi slt, %jit3A_423, %sign3A_435 : i32
    %sign3A_437 = arith.extui %sign3A_436 : i1 to i32
    %sign3A_438 = arith.subi %sign3A_434, %sign3A_437 : i32
    %ne3A_439 = arith.cmpi ne, %sign3A_431, %sign3A_438 : i32
    %rem3A_440 = arith.remsi %add3A_422, %jit3A_423 : i32
    %ne3A_441 = arith.constant 0 : i32
    %ne3A_442 = arith.cmpi ne, %rem3A_440, %ne3A_441 : i32
    %and3A_443 = arith.andi %ne3A_439, %ne3A_442 : i1
    %sub3A_444 = arith.constant 1 : i32
    %sub3A_445 = arith.subi %div3A_424, %sub3A_444 : i32
    %select_n3A_446 = arith.select %and3A_443, %sub3A_445, %div3A_424 : i32
    %jit3A_447 = arith.constant 16 : i32
    %eq3A_448 = arith.constant 0 : i32
    %eq3A_449 = arith.cmpi eq, %jit3A_447, %eq3A_448 : i32
    %jit3A_450 = arith.constant 1 : i32
    %select_n3A_451 = arith.select %eq3A_449, %jit3A_450, %jit3A_447 : i32
    %rem3A_452 = arith.remsi %add3A_422, %select_n3A_451 : i32
    %ne3A_453 = arith.constant 0 : i32
    %ne3A_454 = arith.cmpi ne, %rem3A_452, %ne3A_453 : i32
    %lt3A_455 = arith.constant 0 : i32
    %lt3A_456 = arith.cmpi slt, %rem3A_452, %lt3A_455 : i32
    %lt3A_457 = arith.constant 0 : i32
    %lt3A_458 = arith.cmpi slt, %select_n3A_451, %lt3A_457 : i32
    %ne3A_459 = arith.xori %lt3A_456, %lt3A_458 : i1
    %and3A_460 = arith.andi %ne3A_459, %ne3A_454 : i1
    %add3A_461 = arith.addi %rem3A_452, %select_n3A_451 : i32
    %select_n3A_462 = arith.select %and3A_460, %add3A_461, %rem3A_452 : i32
    %iota3A_463 = tpu.iota {dimensions = array<i32: 0>} : vector<256x1xi32>
    %mul3A_464 = arith.constant 16 : i32
    %mul3A_465 = arith.muli %select_n3A_462, %mul3A_464 : i32
    %jit3A_466 = arith.constant 16 : i32
    %eq3A_467 = arith.constant 0 : i32
    %eq3A_468 = arith.cmpi eq, %jit3A_466, %eq3A_467 : i32
    %jit3A_469 = arith.constant 1 : i32
    %select_n3A_470 = arith.select %eq3A_468, %jit3A_469, %jit3A_466 : i32
    %rem3A_471 = vector.broadcast %select_n3A_470 : i32 to vector<256x1xi32>
    %rem3A_472 = arith.remsi %iota3A_463, %rem3A_471 : vector<256x1xi32>
    %ne3A_473 = arith.constant 0 : i32
    %ne3A_474 = vector.broadcast %ne3A_473 : i32 to vector<256x1xi32>
    %ne3A_475 = arith.cmpi ne, %rem3A_472, %ne3A_474 : vector<256x1xi32>
    %lt3A_476 = arith.constant 0 : i32
    %lt3A_477 = vector.broadcast %lt3A_476 : i32 to vector<256x1xi32>
    %lt3A_478 = arith.cmpi slt, %rem3A_472, %lt3A_477 : vector<256x1xi32>
    %lt3A_479 = arith.constant 0 : i32
    %lt3A_480 = arith.cmpi slt, %select_n3A_470, %lt3A_479 : i32
    %ne3A_481 = vector.broadcast %lt3A_480 : i1 to vector<256x1xi1>
    %ne3A_482 = vector.broadcast %ne3A_481 : vector<256x1xi1> to vector<256x1xi1>
    %ne3A_483 = arith.xori %lt3A_478, %ne3A_482 : vector<256x1xi1>
    %and3A_484 = arith.andi %ne3A_483, %ne3A_475 : vector<256x1xi1>
    %add3A_485 = vector.broadcast %select_n3A_470 : i32 to vector<256x1xi32>
    %add3A_486 = arith.addi %rem3A_472, %add3A_485 : vector<256x1xi32>
    %select_n3A_487 = arith.select %and3A_484, %add3A_486, %rem3A_472 : vector<256x1xi1>, vector<256x1xi32>
    %add3A_488 = vector.broadcast %mul3A_465 : i32 to vector<256x1xi32>
    %add3A_489 = arith.addi %add3A_488, %select_n3A_487 : vector<256x1xi32>
    %mul3A_490 = arith.constant 16 : i32
    %mul3A_491 = arith.muli %select_n3A_446, %mul3A_490 : i32
    %jit3A_492 = arith.constant 16 : i32
    %div3A_493 = vector.broadcast %jit3A_492 : i32 to vector<256x1xi32>
    %div3A_494 = arith.divsi %iota3A_463, %div3A_493 : vector<256x1xi32>
    %sign3A_495 = arith.constant 0 : i32
    %sign3A_496 = vector.broadcast %sign3A_495 : i32 to vector<256x1xi32>
    %sign3A_497 = arith.cmpi sgt, %iota3A_463, %sign3A_496 : vector<256x1xi32>
    %sign3A_498 = arith.extui %sign3A_497 : vector<256x1xi1> to vector<256x1xi32>
    %sign3A_499 = arith.constant 0 : i32
    %sign3A_500 = vector.broadcast %sign3A_499 : i32 to vector<256x1xi32>
    %sign3A_501 = arith.cmpi slt, %iota3A_463, %sign3A_500 : vector<256x1xi32>
    %sign3A_502 = arith.extui %sign3A_501 : vector<256x1xi1> to vector<256x1xi32>
    %sign3A_503 = arith.subi %sign3A_498, %sign3A_502 : vector<256x1xi32>
    %sign3A_504 = arith.constant 0 : i32
    %sign3A_505 = arith.cmpi sgt, %jit3A_492, %sign3A_504 : i32
    %sign3A_506 = arith.extui %sign3A_505 : i1 to i32
    %sign3A_507 = arith.constant 0 : i32
    %sign3A_508 = arith.cmpi slt, %jit3A_492, %sign3A_507 : i32
    %sign3A_509 = arith.extui %sign3A_508 : i1 to i32
    %sign3A_510 = arith.subi %sign3A_506, %sign3A_509 : i32
    %ne3A_511 = vector.broadcast %sign3A_510 : i32 to vector<256x1xi32>
    %ne3A_512 = arith.cmpi ne, %sign3A_503, %ne3A_511 : vector<256x1xi32>
    %rem3A_513 = vector.broadcast %jit3A_492 : i32 to vector<256x1xi32>
    %rem3A_514 = arith.remsi %iota3A_463, %rem3A_513 : vector<256x1xi32>
    %ne3A_515 = arith.constant 0 : i32
    %ne3A_516 = vector.broadcast %ne3A_515 : i32 to vector<256x1xi32>
    %ne3A_517 = arith.cmpi ne, %rem3A_514, %ne3A_516 : vector<256x1xi32>
    %and3A_518 = arith.andi %ne3A_512, %ne3A_517 : vector<256x1xi1>
    %sub3A_519 = arith.constant 1 : i32
    %sub3A_520 = vector.broadcast %sub3A_519 : i32 to vector<256x1xi32>
    %sub3A_521 = arith.subi %div3A_494, %sub3A_520 : vector<256x1xi32>
    %select_n3A_522 = arith.select %and3A_518, %sub3A_521, %div3A_494 : vector<256x1xi1>, vector<256x1xi32>
    %add3A_523 = vector.broadcast %mul3A_491 : i32 to vector<256x1xi32>
    %add3A_524 = arith.addi %add3A_523, %select_n3A_522 : vector<256x1xi32>
    %convert_element_type3A_525 = arith.sitofp %add3A_489 : vector<256x1xi32> to vector<256x1xf32>
    %add3A_526 = arith.constant 5.000000e-01 : f32
    %add3A_527 = vector.broadcast %add3A_526 : f32 to vector<256x1xf32>
    %add3A_528 = arith.addf %convert_element_type3A_525, %add3A_527 : vector<256x1xf32>
    %div3A_529 = arith.constant 2.560000e+02 : f32
    %div3A_530 = vector.broadcast %div3A_529 : f32 to vector<256x1xf32>
    %div3A_531 = arith.divf %add3A_528, %div3A_530 : vector<256x1xf32>
    %convert_element_type3A_532 = arith.sitofp %add3A_524 : vector<256x1xi32> to vector<256x1xf32>
    %add3A_533 = arith.constant 5.000000e-01 : f32
    %add3A_534 = vector.broadcast %add3A_533 : f32 to vector<256x1xf32>
    %add3A_535 = arith.addf %convert_element_type3A_532, %add3A_534 : vector<256x1xf32>
    %div3A_536 = arith.constant 2.560000e+02 : f32
    %div3A_537 = vector.broadcast %div3A_536 : f32 to vector<256x1xf32>
    %div3A_538 = arith.divf %add3A_535, %div3A_537 : vector<256x1xf32>
    %get3A_539 = arith.constant 0 : index
    %get3A_540 = memref.load %arg8[%get3A_539] : memref<1xi32, #tpu.memory_space<smem>>
    %eq3A_541 = arith.constant 0 : i32
    %eq3A_542 = arith.cmpi eq, %get3A_540, %eq3A_541 : i32
    %or3A_543 = arith.constant true
    %or3A_544 = arith.ori %or3A_543, %eq3A_542 : i1
    %convert_element_type3A_545 = arith.extui %or3A_544 : i1 to i32
    %cond3A_546 = arith.constant 0 : i32
    %cond3A_547 = arith.cmpi ne, %convert_element_type3A_545, %cond3A_546 : i32
    scf.if %cond3A_547 {
      %get3A_563 = arith.constant 0 : index
      %get3A_564 = arith.constant 0 : index
      %get3A_565 = vector.load %arg9[%get3A_563, %get3A_564] : memref<8x2048xf32, #tpu.memory_space<vmem>>, vector<1x128xf32>
      %get3A_566 = arith.constant 1 : index
      %get3A_567 = arith.constant 0 : index
      %get3A_568 = vector.load %arg9[%get3A_566, %get3A_567] : memref<8x2048xf32, #tpu.memory_space<vmem>>, vector<1x128xf32>
      %get3A_569 = arith.constant 2 : index
      %get3A_570 = arith.constant 0 : index
      %get3A_571 = vector.load %arg9[%get3A_569, %get3A_570] : memref<8x2048xf32, #tpu.memory_space<vmem>>, vector<1x128xf32>
      %get3A_572 = arith.constant 3 : index
      %get3A_573 = arith.constant 0 : index
      %get3A_574 = vector.load %arg9[%get3A_572, %get3A_573] : memref<8x2048xf32, #tpu.memory_space<vmem>>, vector<1x128xf32>
      %get3A_575 = arith.constant 4 : index
      %get3A_576 = arith.constant 0 : index
      %get3A_577 = vector.load %arg9[%get3A_575, %get3A_576] : memref<8x2048xf32, #tpu.memory_space<vmem>>, vector<1x128xf32>
      %get3A_578 = arith.constant 5 : index
      %get3A_579 = arith.constant 0 : index
      %get3A_580 = vector.load %arg9[%get3A_578, %get3A_579] : memref<8x2048xf32, #tpu.memory_space<vmem>>, vector<1x128xf32>
      %get3A_581 = arith.constant 6 : index
      %get3A_582 = arith.constant 0 : index
      %get3A_583 = vector.load %arg9[%get3A_581, %get3A_582] : memref<8x2048xf32, #tpu.memory_space<vmem>>, vector<1x128xf32>
      %sub3A_584 = vector.broadcast %div3A_531 : vector<256x1xf32> to vector<256x128xf32>
      %sub3A_585 = vector.broadcast %get3A_577 : vector<1x128xf32> to vector<256x128xf32>
      %sub3A_586 = arith.subf %sub3A_584, %sub3A_585 : vector<256x128xf32>
      %sub3A_587 = vector.broadcast %div3A_538 : vector<256x1xf32> to vector<256x128xf32>
      %sub3A_588 = vector.broadcast %get3A_580 : vector<1x128xf32> to vector<256x128xf32>
      %sub3A_589 = arith.subf %sub3A_587, %sub3A_588 : vector<256x128xf32>
      %mul3A_590 = vector.broadcast %get3A_565 : vector<1x128xf32> to vector<256x128xf32>
      %mul3A_591 = arith.mulf %mul3A_590, %sub3A_586 : vector<256x128xf32>
      %mul3A_592 = vector.broadcast %get3A_568 : vector<1x128xf32> to vector<256x128xf32>
      %mul3A_593 = arith.mulf %mul3A_592, %sub3A_589 : vector<256x128xf32>
      %add3A_594 = arith.addf %mul3A_591, %mul3A_593 : vector<256x128xf32>
      %mul3A_595 = vector.broadcast %get3A_571 : vector<1x128xf32> to vector<256x128xf32>
      %mul3A_596 = arith.mulf %mul3A_595, %sub3A_586 : vector<256x128xf32>
      %mul3A_597 = vector.broadcast %get3A_574 : vector<1x128xf32> to vector<256x128xf32>
      %mul3A_598 = arith.mulf %mul3A_597, %sub3A_589 : vector<256x128xf32>
      %add3A_599 = arith.addf %mul3A_596, %mul3A_598 : vector<256x128xf32>
      %sub3A_600 = vector.broadcast %get3A_583 : vector<1x128xf32> to vector<256x128xf32>
      %sub3A_601 = arith.subf %sub3A_600, %add3A_594 : vector<256x128xf32>
      %sub3A_602 = arith.subf %sub3A_601, %add3A_599 : vector<256x128xf32>
      %min3A = arith.minimumf %add3A_599, %sub3A_602 : vector<256x128xf32>
      %min3A_603 = arith.minimumf %add3A_594, %min3A : vector<256x128xf32>
      %iota3A_604 = tpu.iota {dimensions = array<i32: 1>} : vector<256x128xi32>
      %ge3A = arith.constant 0.000000e+00 : f32
      %ge3A_605 = vector.broadcast %ge3A : f32 to vector<256x128xf32>
      %ge3A_606 = arith.cmpf oge, %min3A_603, %ge3A_605 : vector<256x128xf32>
      %jit3A_607 = arith.constant 1073741824 : i32
      %broadcast_in_dim3A = vector.broadcast %jit3A_607 : i32 to vector<256x128xi32>
      %select_n3A_608 = arith.select %ge3A_606, %iota3A_604, %broadcast_in_dim3A : vector<256x128xi1>, vector<256x128xi32>
      %reduce_min3A = arith.constant dense<2147483647> : vector<256xi32>
      %reduce_min3A_609 = vector.multi_reduction <minsi>, %select_n3A_608, %reduce_min3A [1] : vector<256x128xi32> to vector<256xi32>
      %broadcast_in_dim3A_610 = vector.shape_cast %reduce_min3A_609 : vector<256xi32> to vector<256x1xi32>
      %get3A_611 = arith.constant 7 : index
      %get3A_612 = arith.constant 0 : index
      %get3A_613 = vector.load %arg9[%get3A_611, %get3A_612] : memref<8x2048xf32, #tpu.memory_space<vmem>>, vector<1x128xf32>
      %swap3A_614 = arith.constant 0 : index
      %swap3A_615 = arith.constant 0 : index
      %swap3A_616 = vector.load %arg6[%swap3A_614, %swap3A_615] : memref<256x1xi32, #tpu.memory_space<vmem>>, vector<256x1xi32>
      tpu.vector_store %arg6[%swap3A_614, %swap3A_615], %broadcast_in_dim3A_610 {strides = array<i32>} : memref<256x1xi32, #tpu.memory_space<vmem>>, vector<256x1xi32>,
      %reduce_max3A = vector.shape_cast %broadcast_in_dim3A_610 : vector<256x1xi32> to vector<1x256x1xi32>
      %reduce_max3A_617 = arith.constant dense<-2147483648> : vector<1xi32>
      %reduce_max3A_618 = vector.multi_reduction <maxsi>, %reduce_max3A, %reduce_max3A_617 [1, 2] : vector<1x256x1xi32> to vector<1xi32>
      %reduce_max3A_619 = vector.shape_cast %reduce_max3A_618 : vector<1xi32> to vector<1x1x1xi32>
      %reduce_max3A_620 = vector.extract %reduce_max3A_619[0, 0, 0] : i32 from vector<1x1x1xi32>
      %lt3A_621 = arith.constant 1073741824 : i32
      %lt3A_622 = arith.cmpi slt, %reduce_max3A_620, %lt3A_621 : i32
      %convert_element_type3A_623 = arith.extui %lt3A_622 : i1 to i32
      %swap3A_624 = arith.constant 0 : index
      %swap3A_625 = memref.load %arg8[%swap3A_624] : memref<1xi32, #tpu.memory_space<smem>>
      memref.store %convert_element_type3A_623, %arg8[%swap3A_624] : memref<1xi32, #tpu.memory_space<smem>>
      %eq3A_626 = vector.broadcast %broadcast_in_dim3A_610 : vector<256x1xi32> to vector<256x128xi32>
      %eq3A_627 = arith.cmpi eq, %iota3A_604, %eq3A_626 : vector<256x128xi32>
      %jit3A_628 = arith.constant 0.000000e+00 : f32
      %broadcast_in_dim3A_629 = vector.shape_cast %get3A_613 : vector<1x128xf32> to vector<1x128xf32>
      %broadcast_in_dim3A_630 = vector.broadcast %broadcast_in_dim3A_629 : vector<1x128xf32> to vector<256x128xf32>
      %broadcast_in_dim3A_631 = vector.broadcast %jit3A_628 : f32 to vector<256x128xf32>
      %select_n3A_632 = arith.select %eq3A_627, %broadcast_in_dim3A_630, %broadcast_in_dim3A_631 : vector<256x128xi1>, vector<256x128xf32>
      %mul3A_633 = arith.mulf %select_n3A_632, %add3A_594 : vector<256x128xf32>
      %mul3A_634 = arith.mulf %select_n3A_632, %add3A_599 : vector<256x128xf32>
      %mul3A_635 = arith.mulf %select_n3A_632, %sub3A_602 : vector<256x128xf32>
      %get3A_636 = arith.constant 0 : index
      %get3A_637 = arith.constant 0 : index
      %get3A_638 = vector.load %arg2[%get3A_636, %get3A_637] : memref<2048x3xf32, #tpu.memory_space<vmem>>, vector<128x3xf32>
      %dot_general3A = arith.constant dense<0.000000e+00> : vector<256x3xf32>
      %dot_general3A_639 = tpu.matmul %mul3A_633, %get3A_638, %dot_general3A {dimension_numbers = #tpu.dot_dimension_numbers<[1], [0], [0], [1], [0, 0, 1, 1], [], []>, transpose_lhs_hint = false} : vector<256x128xf32>, vector<128x3xf32>, vector<256x3xf32> -> vector<256x3xf32>
      %get3A_640 = arith.constant 0 : index
      %get3A_641 = arith.constant 0 : index
      %get3A_642 = vector.load %arg3[%get3A_640, %get3A_641] : memref<2048x3xf32, #tpu.memory_space<vmem>>, vector<128x3xf32>
      %dot_general3A_643 = arith.constant dense<0.000000e+00> : vector<256x3xf32>
      %dot_general3A_644 = tpu.matmul %mul3A_634, %get3A_642, %dot_general3A_643 {dimension_numbers = #tpu.dot_dimension_numbers<[1], [0], [0], [1], [0, 0, 1, 1], [], []>, transpose_lhs_hint = false} : vector<256x128xf32>, vector<128x3xf32>, vector<256x3xf32> -> vector<256x3xf32>
      %add3A_645 = arith.addf %dot_general3A_639, %dot_general3A_644 : vector<256x3xf32>
      %get3A_646 = arith.constant 0 : index
      %get3A_647 = arith.constant 0 : index
      %get3A_648 = vector.load %arg4[%get3A_646, %get3A_647] : memref<2048x3xf32, #tpu.memory_space<vmem>>, vector<128x3xf32>
      %dot_general3A_649 = arith.constant dense<0.000000e+00> : vector<256x3xf32>
      %dot_general3A_650 = tpu.matmul %mul3A_635, %get3A_648, %dot_general3A_649 {dimension_numbers = #tpu.dot_dimension_numbers<[1], [0], [0], [1], [0, 0, 1, 1], [], []>, transpose_lhs_hint = false} : vector<256x128xf32>, vector<128x3xf32>, vector<256x3xf32> -> vector<256x3xf32>
      %add3A_651 = arith.addf %add3A_645, %dot_general3A_650 : vector<256x3xf32>
      %swap3A_652 = arith.constant 0 : index
      %swap3A_653 = arith.constant 0 : index
      %swap3A_654 = vector.load %arg7[%swap3A_652, %swap3A_653] : memref<256x3xf32, #tpu.memory_space<vmem>>, vector<256x3xf32>
      tpu.vector_store %arg7[%swap3A_652, %swap3A_653], %add3A_651 {strides = array<i32>} : memref<256x3xf32, #tpu.memory_space<vmem>>, vector<256x3xf32>,
    } else {
    }
    %get3A_548 = arith.constant 0 : index
    %get3A_549 = memref.load %arg8[%get3A_548] : memref<1xi32, #tpu.memory_space<smem>>
    %eq3A_550 = arith.constant 0 : i32
    %eq3A_551 = arith.cmpi eq, %get3A_549, %eq3A_550 : i32
    %or3A_552 = arith.constant false
    %or3A_553 = arith.ori %or3A_552, %eq3A_551 : i1
    %convert_element_type3A_554 = arith.extui %or3A_553 : i1 to i32
    %cond3A_555 = arith.constant 0 : i32
    %cond3A_556 = arith.cmpi ne, %convert_element_type3A_554, %cond3A_555 : i32
    scf.if %cond3A_556 {
      %get3A_563 = arith.constant 0 : index
      %get3A_564 = arith.constant 128 : index
      %get3A_565 = vector.load %arg9[%get3A_563, %get3A_564] : memref<8x2048xf32, #tpu.memory_space<vmem>>, vector<1x1920xf32>
      %get3A_566 = arith.constant 1 : index
      %get3A_567 = arith.constant 128 : index
      %get3A_568 = vector.load %arg9[%get3A_566, %get3A_567] : memref<8x2048xf32, #tpu.memory_space<vmem>>, vector<1x1920xf32>
      %get3A_569 = arith.constant 2 : index
      %get3A_570 = arith.constant 128 : index
      %get3A_571 = vector.load %arg9[%get3A_569, %get3A_570] : memref<8x2048xf32, #tpu.memory_space<vmem>>, vector<1x1920xf32>
      %get3A_572 = arith.constant 3 : index
      %get3A_573 = arith.constant 128 : index
      %get3A_574 = vector.load %arg9[%get3A_572, %get3A_573] : memref<8x2048xf32, #tpu.memory_space<vmem>>, vector<1x1920xf32>
      %get3A_575 = arith.constant 4 : index
      %get3A_576 = arith.constant 128 : index
      %get3A_577 = vector.load %arg9[%get3A_575, %get3A_576] : memref<8x2048xf32, #tpu.memory_space<vmem>>, vector<1x1920xf32>
      %get3A_578 = arith.constant 5 : index
      %get3A_579 = arith.constant 128 : index
      %get3A_580 = vector.load %arg9[%get3A_578, %get3A_579] : memref<8x2048xf32, #tpu.memory_space<vmem>>, vector<1x1920xf32>
      %get3A_581 = arith.constant 6 : index
      %get3A_582 = arith.constant 128 : index
      %get3A_583 = vector.load %arg9[%get3A_581, %get3A_582] : memref<8x2048xf32, #tpu.memory_space<vmem>>, vector<1x1920xf32>
      %sub3A_584 = vector.broadcast %div3A_531 : vector<256x1xf32> to vector<256x1920xf32>
      %sub3A_585 = vector.broadcast %get3A_577 : vector<1x1920xf32> to vector<256x1920xf32>
      %sub3A_586 = arith.subf %sub3A_584, %sub3A_585 : vector<256x1920xf32>
      %sub3A_587 = vector.broadcast %div3A_538 : vector<256x1xf32> to vector<256x1920xf32>
      %sub3A_588 = vector.broadcast %get3A_580 : vector<1x1920xf32> to vector<256x1920xf32>
      %sub3A_589 = arith.subf %sub3A_587, %sub3A_588 : vector<256x1920xf32>
      %mul3A_590 = vector.broadcast %get3A_565 : vector<1x1920xf32> to vector<256x1920xf32>
      %mul3A_591 = arith.mulf %mul3A_590, %sub3A_586 : vector<256x1920xf32>
      %mul3A_592 = vector.broadcast %get3A_568 : vector<1x1920xf32> to vector<256x1920xf32>
      %mul3A_593 = arith.mulf %mul3A_592, %sub3A_589 : vector<256x1920xf32>
      %add3A_594 = arith.addf %mul3A_591, %mul3A_593 : vector<256x1920xf32>
      %mul3A_595 = vector.broadcast %get3A_571 : vector<1x1920xf32> to vector<256x1920xf32>
      %mul3A_596 = arith.mulf %mul3A_595, %sub3A_586 : vector<256x1920xf32>
      %mul3A_597 = vector.broadcast %get3A_574 : vector<1x1920xf32> to vector<256x1920xf32>
      %mul3A_598 = arith.mulf %mul3A_597, %sub3A_589 : vector<256x1920xf32>
      %add3A_599 = arith.addf %mul3A_596, %mul3A_598 : vector<256x1920xf32>
      %sub3A_600 = vector.broadcast %get3A_583 : vector<1x1920xf32> to vector<256x1920xf32>
      %sub3A_601 = arith.subf %sub3A_600, %add3A_594 : vector<256x1920xf32>
      %sub3A_602 = arith.subf %sub3A_601, %add3A_599 : vector<256x1920xf32>
      %min3A = arith.minimumf %add3A_599, %sub3A_602 : vector<256x1920xf32>
      %min3A_603 = arith.minimumf %add3A_594, %min3A : vector<256x1920xf32>
      %iota3A_604 = tpu.iota {dimensions = array<i32: 1>} : vector<256x1920xi32>
      %ge3A = arith.constant 0.000000e+00 : f32
      %ge3A_605 = vector.broadcast %ge3A : f32 to vector<256x1920xf32>
      %ge3A_606 = arith.cmpf oge, %min3A_603, %ge3A_605 : vector<256x1920xf32>
      %jit3A_607 = arith.constant 1073741824 : i32
      %broadcast_in_dim3A = vector.broadcast %jit3A_607 : i32 to vector<256x1920xi32>
      %select_n3A_608 = arith.select %ge3A_606, %iota3A_604, %broadcast_in_dim3A : vector<256x1920xi1>, vector<256x1920xi32>
      %reduce_min3A = arith.constant dense<2147483647> : vector<256xi32>
      %reduce_min3A_609 = vector.multi_reduction <minsi>, %select_n3A_608, %reduce_min3A [1] : vector<256x1920xi32> to vector<256xi32>
      %broadcast_in_dim3A_610 = vector.shape_cast %reduce_min3A_609 : vector<256xi32> to vector<256x1xi32>
      %get3A_611 = arith.constant 7 : index
      %get3A_612 = arith.constant 128 : index
      %get3A_613 = vector.load %arg9[%get3A_611, %get3A_612] : memref<8x2048xf32, #tpu.memory_space<vmem>>, vector<1x1920xf32>
      %get3A_614 = arith.constant 0 : index
      %get3A_615 = arith.constant 0 : index
      %get3A_616 = vector.load %arg6[%get3A_614, %get3A_615] : memref<256x1xi32, #tpu.memory_space<vmem>>, vector<256x1xi32>
      %add3A_617 = arith.constant 128 : i32
      %add3A_618 = vector.broadcast %add3A_617 : i32 to vector<256x1xi32>
      %add3A_619 = arith.addi %broadcast_in_dim3A_610, %add3A_618 : vector<256x1xi32>
      %lt3A_620 = arith.cmpi slt, %add3A_619, %get3A_616 : vector<256x1xi32>
      %add3A_621 = arith.constant 128 : i32
      %add3A_622 = vector.broadcast %add3A_621 : i32 to vector<256x1xi32>
      %add3A_623 = arith.addi %broadcast_in_dim3A_610, %add3A_622 : vector<256x1xi32>
      %select_n3A_624 = arith.select %lt3A_620, %add3A_623, %get3A_616 : vector<256x1xi1>, vector<256x1xi32>
      %swap3A_625 = arith.constant 0 : index
      %swap3A_626 = arith.constant 0 : index
      %swap3A_627 = vector.load %arg6[%swap3A_625, %swap3A_626] : memref<256x1xi32, #tpu.memory_space<vmem>>, vector<256x1xi32>
      tpu.vector_store %arg6[%swap3A_625, %swap3A_626], %select_n3A_624 {strides = array<i32>} : memref<256x1xi32, #tpu.memory_space<vmem>>, vector<256x1xi32>,
      %jit3A_628 = arith.constant 0 : i32
      %broadcast_in_dim3A_629 = vector.broadcast %jit3A_628 : i32 to vector<256x1xi32>
      %select_n3A_630 = arith.select %lt3A_620, %broadcast_in_dim3A_629, %get3A_616 : vector<256x1xi1>, vector<256x1xi32>
      %reduce_max3A = vector.shape_cast %select_n3A_630 : vector<256x1xi32> to vector<1x256x1xi32>
      %reduce_max3A_631 = arith.constant dense<-2147483648> : vector<1xi32>
      %reduce_max3A_632 = vector.multi_reduction <maxsi>, %reduce_max3A, %reduce_max3A_631 [1, 2] : vector<1x256x1xi32> to vector<1xi32>
      %reduce_max3A_633 = vector.shape_cast %reduce_max3A_632 : vector<1xi32> to vector<1x1x1xi32>
      %reduce_max3A_634 = vector.extract %reduce_max3A_633[0, 0, 0] : i32 from vector<1x1x1xi32>
      %lt3A_635 = arith.constant 1073741824 : i32
      %lt3A_636 = arith.cmpi slt, %reduce_max3A_634, %lt3A_635 : i32
      %convert_element_type3A_637 = arith.extui %lt3A_636 : i1 to i32
      %swap3A_638 = arith.constant 0 : index
      %swap3A_639 = memref.load %arg8[%swap3A_638] : memref<1xi32, #tpu.memory_space<smem>>
      memref.store %convert_element_type3A_637, %arg8[%swap3A_638] : memref<1xi32, #tpu.memory_space<smem>>
      %convert_element_type3A_640 = arith.extui %lt3A_620 : vector<256x1xi1> to vector<256x1xi32>
      %reduce_max3A_641 = vector.shape_cast %convert_element_type3A_640 : vector<256x1xi32> to vector<1x256x1xi32>
      %reduce_max3A_642 = arith.constant dense<-2147483648> : vector<1xi32>
      %reduce_max3A_643 = vector.multi_reduction <maxsi>, %reduce_max3A_641, %reduce_max3A_642 [1, 2] : vector<1x256x1xi32> to vector<1xi32>
      %reduce_max3A_644 = vector.shape_cast %reduce_max3A_643 : vector<1xi32> to vector<1x1x1xi32>
      %reduce_max3A_645 = vector.extract %reduce_max3A_644[0, 0, 0] : i32 from vector<1x1x1xi32>
      %gt3A = arith.constant 0 : i32
      %gt3A_646 = arith.cmpi sgt, %reduce_max3A_645, %gt3A : i32
      %convert_element_type3A_647 = arith.extui %gt3A_646 : i1 to i32
      %cond3A_648 = arith.constant 0 : i32
      %cond3A_649 = arith.cmpi ne, %convert_element_type3A_647, %cond3A_648 : i32
      scf.if %cond3A_649 {
        %eq3A_650 = vector.broadcast %broadcast_in_dim3A_610 : vector<256x1xi32> to vector<256x1920xi32>
        %eq3A_651 = arith.cmpi eq, %iota3A_604, %eq3A_650 : vector<256x1920xi32>
        %and3A_652 = vector.broadcast %lt3A_620 : vector<256x1xi1> to vector<256x1920xi1>
        %and3A_653 = arith.andi %eq3A_651, %and3A_652 : vector<256x1920xi1>
        %jit3A_654 = arith.constant 0.000000e+00 : f32
        %broadcast_in_dim3A_655 = vector.shape_cast %get3A_613 : vector<1x1920xf32> to vector<1x1920xf32>
        %broadcast_in_dim3A_656 = vector.broadcast %broadcast_in_dim3A_655 : vector<1x1920xf32> to vector<256x1920xf32>
        %broadcast_in_dim3A_657 = vector.broadcast %jit3A_654 : f32 to vector<256x1920xf32>
        %select_n3A_658 = arith.select %and3A_653, %broadcast_in_dim3A_656, %broadcast_in_dim3A_657 : vector<256x1920xi1>, vector<256x1920xf32>
        %mul3A_659 = arith.mulf %select_n3A_658, %add3A_594 : vector<256x1920xf32>
        %mul3A_660 = arith.mulf %select_n3A_658, %add3A_599 : vector<256x1920xf32>
        %mul3A_661 = arith.mulf %select_n3A_658, %sub3A_602 : vector<256x1920xf32>
        %get3A_662 = arith.constant 128 : index
        %get3A_663 = arith.constant 0 : index
        %get3A_664 = vector.load %arg2[%get3A_662, %get3A_663] : memref<2048x3xf32, #tpu.memory_space<vmem>>, vector<1920x3xf32>
        %dot_general3A = arith.constant dense<0.000000e+00> : vector<256x3xf32>
        %dot_general3A_665 = tpu.matmul %mul3A_659, %get3A_664, %dot_general3A {dimension_numbers = #tpu.dot_dimension_numbers<[1], [0], [0], [1], [0, 0, 1, 1], [], []>, transpose_lhs_hint = false} : vector<256x1920xf32>, vector<1920x3xf32>, vector<256x3xf32> -> vector<256x3xf32>
        %get3A_666 = arith.constant 128 : index
        %get3A_667 = arith.constant 0 : index
        %get3A_668 = vector.load %arg3[%get3A_666, %get3A_667] : memref<2048x3xf32, #tpu.memory_space<vmem>>, vector<1920x3xf32>
        %dot_general3A_669 = arith.constant dense<0.000000e+00> : vector<256x3xf32>
        %dot_general3A_670 = tpu.matmul %mul3A_660, %get3A_668, %dot_general3A_669 {dimension_numbers = #tpu.dot_dimension_numbers<[1], [0], [0], [1], [0, 0, 1, 1], [], []>, transpose_lhs_hint = false} : vector<256x1920xf32>, vector<1920x3xf32>, vector<256x3xf32> -> vector<256x3xf32>
        %add3A_671 = arith.addf %dot_general3A_665, %dot_general3A_670 : vector<256x3xf32>
        %get3A_672 = arith.constant 128 : index
        %get3A_673 = arith.constant 0 : index
        %get3A_674 = vector.load %arg4[%get3A_672, %get3A_673] : memref<2048x3xf32, #tpu.memory_space<vmem>>, vector<1920x3xf32>
        %dot_general3A_675 = arith.constant dense<0.000000e+00> : vector<256x3xf32>
        %dot_general3A_676 = tpu.matmul %mul3A_661, %get3A_674, %dot_general3A_675 {dimension_numbers = #tpu.dot_dimension_numbers<[1], [0], [0], [1], [0, 0, 1, 1], [], []>, transpose_lhs_hint = false} : vector<256x1920xf32>, vector<1920x3xf32>, vector<256x3xf32> -> vector<256x3xf32>
        %add3A_677 = arith.addf %add3A_671, %dot_general3A_676 : vector<256x3xf32>
        %get3A_678 = arith.constant 0 : index
        %get3A_679 = arith.constant 0 : index
        %get3A_680 = vector.load %arg7[%get3A_678, %get3A_679] : memref<256x3xf32, #tpu.memory_space<vmem>>, vector<256x3xf32>
        %add3A_681 = arith.addf %get3A_680, %add3A_677 : vector<256x3xf32>
        %swap3A_682 = arith.constant 0 : index
        %swap3A_683 = arith.constant 0 : index
        %swap3A_684 = vector.load %arg7[%swap3A_682, %swap3A_683] : memref<256x3xf32, #tpu.memory_space<vmem>>, vector<256x3xf32>
        tpu.vector_store %arg7[%swap3A_682, %swap3A_683], %add3A_681 {strides = array<i32>} : memref<256x3xf32, #tpu.memory_space<vmem>>, vector<256x3xf32>,
      } else {
      }
    } else {
    }
    %get3A_557 = arith.constant 0 : index
    %get3A_558 = arith.constant 0 : index
    %get3A_559 = vector.load %arg7[%get3A_557, %get3A_558] : memref<256x3xf32, #tpu.memory_space<vmem>>, vector<256x3xf32>
    %swap3A_560 = arith.constant 768 : index
    %swap3A_561 = arith.constant 0 : index
    %swap3A_562 = vector.load %arg5[%swap3A_560, %swap3A_561] : memref<1024x3xf32, #tpu.memory_space<vmem>>, vector<256x3xf32>
    tpu.vector_store %arg5[%swap3A_560, %swap3A_561], %get3A_559 {strides = array<i32>} : memref<1024x3xf32, #tpu.memory_space<vmem>>, vector<256x3xf32>,
    return
  }
  func.func @transform_0(%arg0: i32) -> (i32, i32, i32) {
    %c0_i32 = arith.constant 0 : i32
    %c0_i32_0 = arith.constant 0 : i32
    %c0_i32_1 = arith.constant 0 : i32
    %c0_i32_2 = arith.constant 0 : i32
    return %c0_i32, %c0_i32_0, %c0_i32_1 : i32, i32, i32
  }
  func.func @transform_1(%arg0: i32) -> (i32, i32) {
    %c0_i32 = arith.constant 0 : i32
    %c0_i32_0 = arith.constant 0 : i32
    %c0_i32_1 = arith.constant 0 : i32
    return %c0_i32, %c0_i32_0 : i32, i32
  }
  func.func @transform_2(%arg0: i32) -> (i32, i32) {
    %c0_i32 = arith.constant 0 : i32
    %c0_i32_0 = arith.constant 0 : i32
    %c0_i32_1 = arith.constant 0 : i32
    return %c0_i32, %c0_i32_0 : i32, i32
  }
  func.func @transform_3(%arg0: i32) -> (i32, i32) {
    %c0_i32 = arith.constant 0 : i32
    %c0_i32_0 = arith.constant 0 : i32
    %c0_i32_1 = arith.constant 0 : i32
    return %c0_i32, %c0_i32_0 : i32, i32
  }
  func.func @transform_4(%arg0: i32) -> (i32, i32) {
    %c0_i32 = arith.constant 0 : i32
    %c0_i32_0 = arith.constant 0 : i32
    return %arg0, %c0_i32 : i32, i32
  }
}

</mosaic_0001>

<sc_bundles>
// kernel: kernel.4.cloned.1.call-start
scs
__scs_entry_jumppad:
0x0: {  	(pc) =	sbr.rel $0x88, $3  }
0x1: {  	(tag) =	ssettag $0x0;
	lr =	simm.s32 $0x1  }
0x2: {  	[smem:$0x3F9E] =	sst lr;
	_ =	strace $0xD0000000  }
0x3: {  	_ = 	snop  }
0x4: {  	_ = 	snop  }
0x5: {  	_ = 	snop  }
0x6: {  	_ = 	snop  }
0x7: {  	_ = 	snop  }
__scs_overlays_trampoline_lowered:
0x8: {  	[smem:$0x3FAD] =	sst s0  }
0x9: {  	[smem:$0x3FAE] =	sst s1  }
0xa: {  	[smem:$0x3FAF] =	sst s2  }
0xb: {  	[smem:$0x3FB0] =	sst s3  }
0xc: {  	[smem:$0x3FB1] =	sst s4  }
0xd: {  	[smem:$0x3FB2] =	sst s5  }
0xe: {  	[smem:$0x3FB3] =	sst s6  }
0xf: {  	[smem:$0x3FB4] =	sst s7  }
0x10: {  	[smem:$0x3FB5] =	sst s8  }
0x11: {  	[smem:$0x3FB6] =	sst s9;
	s0 =	simm.s32 @!p0 $0x0  }
0x12: {  	s1 =	sld [smem:$0x3F9C];
	s0 =	simm.s32 @p0 $0x1  }
0x13: {  	[smem:$0x3FB7] =	sst s0;
	s0 =	simm.s32 @!p1 $0x0  }
0x14: {  	s2 =	sld [smem:$0x3F9B];
	s0 =	simm.s32 @p1 $0x1  }
0x15: {  	[smem:$0x3FB8] =	sst s0;
	s0 =	simm.s32 @!p2 $0x0  }
0x16: {  	s3 =	sld [smem:$0x3FDB];
	s0 =	simm.s32 @p2 $0x1  }
0x17: {  	s4 =	simm.s32 $0x1BF5;
	[smem:$0x3FBA] =	sst s0  }
0x18: {  	s0 =	sld [smem:$0x3F9D];
	_ =	swait.ge [sflag:s4], $0x0  }
0x19: {  	s7 =	sld [smem:$0x3F9E]  }
0x1a: {  	s8 =	sadd.s32 $0xFFFFE003, lr  }
0x1b: {  	s9 =	sadd.s32 $0xFFFFFEF7, lr;
	s5 =	simm.s32 $0xFFFFFFFF;
	p2 =	slt.u32 s8, $0xFFFFF086  }
0x1c: {  	p1 =	slt.u32 s9, $0xF7A;
	s5 =	simm.s32 @!p2 $0x0  }
0x1d: {  	s5 =	simm.s32 @p1 $0x1;
	p0 =	seq.s32 s7, s2  }
0x1e: {  	s7 =	smul.u32 @!p0 $0xF7A, s2;
	p2 =	seq.s32 @!p0 s5, $0x0  }
0x1f: {  	s9 =	smul.u32 $0xF7A, s1;
	s8 =	simm.s32 @!p0 $0x1BF5;
	p2 =	por !p2, p0  }
0x20: {  	[sflag:s8] =	ssyncset.s32 @!p0 $0xFFFFF086;
	s6 =	sadd.s32 @!p0 s3, s7;
	s7 =	simm.s32 @!p0 $0x108  }
0x21: {  	s3 =	sadd.s32 s3, s9;
	s6 =	sadd.s32 @!p0 $0x88, s6;
	s7 =	simm.s32 @p2 $0x1082  }
0x22: {  	[simem:s7], [sflag:s8] =	dma.local @!p0 [hbm:s6], $0xF7A  }
0x23: {  	s9 =	sor.u32 $0xD0000000, s2;
	s6 =	simm.s32 $0x108;
	_ =	swait.ge @!p0 [sflag:s8], $0x0  }
0x24: {  	s3 =	sadd.s32 $0x88, s3;
	s6 =	simm.s32 @!p1 $0x1082;
	[sflag:s4] =	ssyncset.s32 $0xFFFFF086  }
0x25: {  	[simem:s6], [sflag:s4] =	dma.local [hbm:s3], $0xF7A  }
0x26: {  	[smem:$0x3F9E] =	sst s1;
	(tag) =	ssettag s2;
	_ =	strace s9  }
0x27: {  	s1 =	sld [smem:$0x3FAE]  }
0x28: {  	s2 =	sld [smem:$0x3FAF]  }
0x29: {  	s4 =	sld [smem:$0x3FB1]  }
0x2a: {  	p0 =	seq.s32 s5, $0x0;
	s5 =	sld [smem:$0x3FB2]  }
0x2b: {  	s6 =	sld [smem:$0x3FB3]  }
0x2c: {  	s7 =	sld [smem:$0x3FB4]  }
0x2d: {  	s3 =	simm.s32 $0x108;
	s8 =	sld [smem:$0x3FB5]  }
0x2e: {  	s3 =	simm.s32 @!p0 $0x1082;
	s9 =	sld [smem:$0x3FB6]  }
0x2f: {  	lr =	sadd.s32 s0, s3;
	s0 =	sld [smem:$0x3FAD]  }
0x30: {  	s3 =	sld [smem:$0x3FB0]  }
0x31: {  	[smem:$0x3FB9] =	sst s10  }
0x32: {  	s10 =	sld [smem:$0x3FB7];
	_ =	sdelay $0x3  }
0x33: {  	p0 =	seq.s32 s10, $0x1;
	s10 =	sld [smem:$0x3FB9];
	_ =	sdelay $0x3  }
0x34: {  	[smem:$0x3FB9] =	sst s10  }
0x35: {  	s10 =	sld [smem:$0x3FB8];
	_ =	sdelay $0x3  }
0x36: {  	p1 =	seq.s32 s10, $0x1;
	s10 =	sld [smem:$0x3FB9];
	_ =	sdelay $0x3  }
0x37: {  	[smem:$0x3FB9] =	sst s10  }
0x38: {  	s10 =	sld [smem:$0x3FBA]  }
0x39: {  	_ = 	snop;
	(pc) =	sbr.ind lr, $3  }
0x3a: {  	_ = 	snop  }
0x3b: {  	_ = 	snop  }
0x3c: {  	p2 =	seq.s32 s10, $0x1;
	s10 =	sld [smem:$0x3FB9]  }
0x3d: {  	_ =	shalt  }
0x3e: {  	_ =	shalt  }
0x3f: {  	_ =	shalt  }
0x40: {  	_ =	shalt  }
0x41: {  	_ =	shalt  }
0x42: {  	_ =	shalt  }
0x43: {  	_ =	shalt  }
0x44: {  	_ =	shalt  }
0x45: {  	_ =	shalt  }
0x46: {  	_ =	shalt  }
0x47: {  	_ =	shalt  }
0x48: {  	_ =	shalt  }
0x49: {  	_ =	shalt  }
0x4a: {  	_ =	shalt  }
0x4b: {  	_ =	shalt  }
0x4c: {  	_ =	shalt  }
0x4d: {  	_ =	shalt  }
0x4e: {  	_ =	shalt  }
0x4f: {  	_ =	shalt  }
0x50: {  	_ =	shalt  }
0x51: {  	_ =	shalt  }
0x52: {  	_ =	shalt  }
0x53: {  	_ =	shalt  }
0x54: {  	_ =	shalt  }
0x55: {  	_ =	shalt  }
0x56: {  	_ =	shalt  }
0x57: {  	_ =	shalt  }
0x58: {  	_ =	shalt  }
0x59: {  	_ =	shalt  }
0x5a: {  	_ =	shalt  }
0x5b: {  	_ =	shalt  }
0x5c: {  	_ =	shalt  }
0x5d: {  	_ =	shalt  }
0x5e: {  	_ =	shalt  }
0x5f: {  	_ =	shalt  }
0x60: {  	_ =	shalt  }
0x61: {  	_ =	shalt  }
0x62: {  	_ =	shalt  }
0x63: {  	_ =	shalt  }
0x64: {  	_ =	shalt  }
0x65: {  	_ =	shalt  }
0x66: {  	_ =	shalt  }
0x67: {  	_ =	shalt  }
0x68: {  	_ =	shalt  }
0x69: {  	_ =	shalt  }
0x6a: {  	_ =	shalt  }
0x6b: {  	_ =	shalt  }
0x6c: {  	_ =	shalt  }
0x6d: {  	_ =	shalt  }
0x6e: {  	_ =	shalt  }
0x6f: {  	_ =	shalt  }
0x70: {  	_ =	shalt  }
0x71: {  	_ =	shalt  }
0x72: {  	_ =	shalt  }
0x73: {  	_ =	shalt  }
0x74: {  	_ =	shalt  }
0x75: {  	_ =	shalt  }
0x76: {  	_ =	shalt  }
0x77: {  	_ =	shalt  }
0x78: {  	_ =	shalt  }
0x79: {  	_ =	shalt  }
0x7a: {  	_ =	shalt  }
0x7b: {  	_ =	shalt  }
0x7c: {  	_ =	shalt  }
0x7d: {  	_ =	shalt  }
0x7e: {  	_ =	shalt  }
0x7f: {  	_ =	shalt  }
0x80: {  	_ =	shalt  }
0x81: {  	_ =	shalt  }
0x82: {  	_ =	shalt  }
0x83: {  	_ =	shalt  }
0x84: {  	_ =	shalt  }
0x85: {  	_ =	shalt  }
0x86: {  	_ =	shalt  }
0x87: {  	_ =	shalt  }
.Lfunc_end0:
.L_simem_size_0:
called_computation_lowered:
.L_overlay_start_0:
0x88: {  	s2 =	sld [smem:$0x3FD9]  }
0x89: {  	s3 =	sld [smem:$0x3FFE];
	_ =	sdelay $0x1  }
0x8a: {  	s1 =	srdreg.scid  }
0x8b: {  	s0 =	sand.u32 $0x1, s1  }
0x8c: {  	s17 =	sshll.u32 s0, $0xA;
	s2 =	sadd.s32 s3, s2  }
0x8d: {  	s2 =	sadd.s32 s2, s17  }
0x8e: {  	[smem:$0x3FC5] =	sst s2  }
0x8f: {  	_ = 	snop  }
0x90: {  	s2 =	sld [smem:$0x3FD0];
	(tm) =	ssettm $0x1  }
0x91: {  	s18 =	sld [smem:$0x3FFB];
	_ =	sdelay $0x3  }
0x92: {  	_ =	strace s18  }
0x93: {  	s3 =	sld [smem:$0x3FFC];
	_ =	sdelay $0x3  }
0x94: {  	_ =	strace s3  }
0x95: {  	s3 =	sld [smem:$0x3FFD];
	_ =	sdelay $0x3  }
0x96: {  	_ =	strace s3  }
0x97: {  	_ =	strace $0x8FFFFFFF  }
0x98: {  	s19 =	sld [smem:$0x3FDB];
	_ =	sdelay $0x1  }
0x99: {  	s4 =	simm.s32 $_scs_section_size  }
0x9a: {  	s5 =	simm.s32 $_size__tile_overlayer_lowered;
	s6 =	simm.s32 $_tile_overlayer_lowered  }
0x9b: {  	s22 =	simm.s32 $0x1BFF;
	s21 =	sshll.u32 s6, $0x1;
	s3 =	sadd.s32 s4, s19  }
0x9c: {  	s7 =	simm.s32 $0x0;
	s20 =	sshll.u32 s5, $0x1;
	s5 =	sadd.s32 s21, s3  }
0x9d: {  	[timem:s7], [sflag:s22] =	dma.local [hbm:s5], s20  }
0x9e: {  	_ =	swait.ge [sflag:s22], s20  }
0x9f: {  	s4 =	ssub.s32 $0x0, s20;
	[sflag:s22] =	ssyncset.done $0x0  }
0xa0: {  	[sflag:s22] =	ssyncadd.s32 s4;
	_ =	sdelay $0x1  }
0xa1: {  	s23 =	simm.s32 $0x1B8B  }
0xa2: {  	_ =	swait.ge [sflag:s23], $0x1  }
0xa3: {  	[sflag:s23] =	ssyncset.done $0x0  }
0xa4: {  	s25 =	simm.s32 $0x1B8E;
	s24 =	sld [smem:$0x3FFE];
	[sflag:s23] =	ssyncadd.s32 $0xFFFFFFFF  }
0xa5: {  	s26 =	simm.s32 $execute0_lowered;
	[smem:$0x3FD2] =	sst s25  }
0xa6: {  	s5 =	sshll.u32 s26, $0x1;
	_ =	strace $0x80000046;
	[dreg:$0x1] =	wrdreg $0xFFFFFFFF  }
0xa7: {  	s28 =	simm.s32 $_size_execute0_lowered;
	s3 =	sadd.s32 s3, s5;
	[dreg:$0x0] =	wrdreg $0x0  }
0xa8: {  	s5 =	sshll.u32 s28, $0x1;
	[dreg:$0x2] =	wrdreg s3  }
0xa9: {  	[dreg:$0x3] =	wrdreg s5  }
0xaa: {  	[dreg:$0x4] =	wrdreg $0xC0  }
0xab: {  	_ =	task [dreg:s7], $0x5FFFF  }
0xac: {  	[dreg:$0x1] =	wrdreg $0xFFFFFFFF  }
0xad: {  	[dreg:$0x0] =	wrdreg $0x60  }
0xae: {  	[dreg:$0x2] =	wrdreg s2  }
0xaf: {  	[dreg:$0x3] =	wrdreg s24  }
0xb0: {  	[dreg:$0x4] =	wrdreg $0x9  }
0xb1: {  	_ =	task.clear_ibuf [dreg:s7], $0x5FFFF;
	_ =	strace $0x90000046  }
0xb2: {  	s29 =	simm.s32 $0x9;
	_ =	strace $0x80000048  }
0xb3: {  	_ =	swait.ge [sflag:s29], $0x1  }
0xb4: {  	[sflag:s29] =	ssyncadd.s32 $0xFFFFFFFF  }
0xb5: {  	_ =	strace $0x90000048  }
0xb6: {  	_ =	sfence  }
0xb7: {  	s30 =	sld [smem:$0x0];
	_ =	sdelay $0x2  }
0xb8: {  	s31 =	sshll.u32 s1, $0xD;
	s1 =	sshrl.u32 s1, $0x2  }
0xb9: {  	s3 =	sand.u32 $0x4000, s31;
	s1 =	sadd.s32 s1, s30  }
0xba: {  	s0 =	sor.u32 s3, s0;
	s1 =	sshll.u32 s1, $0x11  }
0xbb: {  	s0 =	sor.u32 s1, s0  }
0xbc: {  	s0 =	sadd.s32 $0x8F2B, s0  }
0xbd: {  	[sflag:s0] =	ssyncadd.remote.s32 $0x1  }
0xbe: {  	_ =	sfence.sel $0xFFFF  }
0xbf: {  	[dreg:$0x0] =	wrdreg $0xFFFFFFFF;
	(pc) =	sbr.abs _section_cstart, $3  }
0xc0: {  	[dreg:$0x1] =	wrdreg $0xFFFFFFFF  }
0xc1: {  	_ =	task.clear_ibuf [dreg:s7], $0x2FFFF;
	_ =	strace $0x9FFFFFFF  }
0xc2: {  	(tm) =	ssettm $0x7FFFFFFF  }
0xc3: {  	_ =	shalt  }
tec
execute0_lowered:
.L_overlay_start_1:
0x0: {  	(tag) =	ssettag $0x1  }
0x1: {  	s1 =	srdreg.scid;
	s0 =	stileid.u32  }
0x2: {  	s12 =	sand.u32 $0x1, s1;
	s28 =	sshll.u32 s0, $0x1  }
0x3: {  	s2 =	rddreg [dreg:$0x0];
	s9 =	sor.u32 s12, s28  }
0x4: {  	s10 =	rddreg [dreg:$0x1];
	s11 =	smul.u32 $0xC0, s9  }
0x5: {  	s3 =	simm.s32 $0x0;
	s1 =	rddreg [dreg:$0x2]  }
0x6: {  	[smem:$0x7FF] =	sst s3;
	s13 =	sadd.s32 $0x800, s10;
	s4 =	sshrl.u32 s11, $0x3  }
0x7: {  	_ =	strace $0x80000047;
	s5 =	sadd.s32 s13, s4;
	s4 =	simm.s32 $0x2  }
0x8: {  	[tilespmem:s3], [sflag:$0x2] =	stream.linear.gather [hbm4b:s5+s3], $0x60, $0x38;
	[tilespmem:$0x3100] =	vst v63  }
0x9: {  	_ =	swait.ge [sflag:s4], $0x60  }
0xa: {  	s6 =	simm.s32 $0x60;
	[sflag:s4] =	ssyncset.done $0x0  }
0xb: {  	s7 =	simm.s32 $0x100;
	s8 =	simm.s32 $0x1;
	[sflag:s4] =	ssyncadd.s32 $0xFFFFFFA0  }
0xc: {  	[tilespmem:s7], [sflag:$0x1] =	stream.indirect.gather [hbm4b:s2+s6], $0x80, s3, s6, $0xb8;
	[tilespmem:$0x3100] =	vst v63  }
0xd: {  	s9 =	smul.u32 $0xC00, s9;
	_ =	swait.ge [sflag:s8], $0x3000  }
0xe: {  	s14 =	sadd.s32 $0xC00, s10;
	[sflag:s8] =	ssyncset.done $0x0  }
0xf: {  	s9 =	sadd.s32 s14, s9;
	[sflag:s8] =	ssyncadd.s32 $0xFFFFD000  }
0x10: {  	[hbm4b:s9+s3] =	stream.linear.scatter [tilespmem:s7], [sflag:$0x2], $0x3000, $0x38;
	[tilespmem:$0x3100] =	vst v63  }
0x11: {  	s15 =	sadd.s32 $0x60, s11;
	_ =	swait.ge [sflag:s4], $0x3000  }
0x12: {  	s12 =	ssub.s32 $0x2, s12;
	s29 =	sshrl.u32 s15, $0x3;
	[sflag:s4] =	ssyncset.done $0x0  }
0x13: {  	s11 =	simm.s32 $0x80;
	s10 =	sadd.s32 s13, s29;
	[sflag:s4] =	ssyncadd.s32 $0xFFFFD000  }
0x14: {  	[tilespmem:s11], [sflag:$0x2] =	stream.linear.gather [hbm4b:s10+s3], $0x60, $0x38;
	[tilespmem:$0x3100] =	vst v63  }
0x15: {  	s30 =	sshrl.u32 s12, $0x1;
	_ =	swait.ge [sflag:s4], $0x60  }
0x16: {  	s13 =	ssub.s32 s12, s30;
	[sflag:s4] =	ssyncset.done $0x0  }
0x17: {  	s13 =	smax.u32 s13, $0x1;
	[sflag:s4] =	ssyncadd.s32 $0xFFFFFFA0  }
0x18: {  	[tilespmem:s7], [sflag:$0x1] =	stream.indirect.gather [hbm4b:s2+s6], $0x80, s11, s6, $0xb8;
	[tilespmem:$0x3100] =	vst v63  }
0x19: {  	p0 =	sne.s32 s13, $0x1;
	_ =	swait.ge [sflag:s8], $0x3000  }
.Ltmp0:
0x1a: {  	s31 =	sshll.u32 s15, $0x4;
	[sflag:s8] =	ssyncset.done $0x0;
	(pc) =	sbr.rel @!p0 .LBB2_2-.Ltmp0, $4  }
0x1b: {  	s12 =	sadd.s32 s14, s31;
	[sflag:s8] =	ssyncadd.s32 $0xFFFFD000  }
0x1c: {  	[hbm4b:s12+s3] =	stream.linear.scatter [tilespmem:s7], [sflag:$0x2], $0x3000, $0x38;
	[tilespmem:$0x3100] =	vst v63  }
0x1d: {  	_ =	swait.ge [sflag:s4], $0x3000  }
0x1e: {  	s13 =	sadd.s32 $0xFFFFFFFF, s13;
	[sflag:s4] =	ssyncset.done $0x0  }
.LBB2_1:
0x1f: {  	p0 =	sne.s32 s13, $0x1;
	s13 =	sadd.s32 $0xFFFFFFFF, s13;
	[sflag:s4] =	ssyncadd.s32 $0xFFFFD000  }
0x20: {  	[tilespmem:s3], [sflag:$0x2] =	stream.linear.gather [hbm4b:s5+s3], $0x60, $0x38;
	[tilespmem:$0x3100] =	vst v63  }
0x21: {  	_ =	swait.ge [sflag:s4], $0x60  }
0x22: {  	[sflag:s4] =	ssyncset.done $0x0  }
0x23: {  	[sflag:s4] =	ssyncadd.s32 $0xFFFFFFA0  }
0x24: {  	[tilespmem:s7], [sflag:$0x1] =	stream.indirect.gather [hbm4b:s2+s6], $0x80, s3, s6, $0xb8;
	[tilespmem:$0x3100] =	vst v63  }
0x25: {  	_ =	swait.ge [sflag:s8], $0x3000  }
0x26: {  	[sflag:s8] =	ssyncset.done $0x0  }
0x27: {  	[sflag:s8] =	ssyncadd.s32 $0xFFFFD000  }
0x28: {  	[hbm4b:s9+s3] =	stream.linear.scatter [tilespmem:s7], [sflag:$0x2], $0x3000, $0x38;
	[tilespmem:$0x3100] =	vst v63  }
0x29: {  	_ =	swait.ge [sflag:s4], $0x3000  }
0x2a: {  	[sflag:s4] =	ssyncset.done $0x0  }
0x2b: {  	[sflag:s4] =	ssyncadd.s32 $0xFFFFD000  }
0x2c: {  	[tilespmem:s11], [sflag:$0x2] =	stream.linear.gather [hbm4b:s10+s3], $0x60, $0x38;
	[tilespmem:$0x3100] =	vst v63  }
0x2d: {  	_ =	swait.ge [sflag:s4], $0x60  }
0x2e: {  	[sflag:s4] =	ssyncset.done $0x0  }
0x2f: {  	[sflag:s4] =	ssyncadd.s32 $0xFFFFFFA0  }
0x30: {  	[tilespmem:s7], [sflag:$0x1] =	stream.indirect.gather [hbm4b:s2+s6], $0x80, s11, s6, $0xb8;
	[tilespmem:$0x3100] =	vst v63  }
0x31: {  	_ =	swait.ge [sflag:s8], $0x3000  }
.Ltmp1:
0x32: {  	[sflag:s8] =	ssyncset.done $0x0;
	(pc) =	sbr.rel @p0 .LBB2_1-.Ltmp1, $4  }
0x33: {  	[sflag:s8] =	ssyncadd.s32 $0xFFFFD000  }
0x34: {  	[hbm4b:s12+s3] =	stream.linear.scatter [tilespmem:s7], [sflag:$0x2], $0x3000, $0x38;
	[tilespmem:$0x3100] =	vst v63  }
0x35: {  	_ =	swait.ge [sflag:s4], $0x3000  }
0x36: {  	[sflag:s4] =	ssyncset.done $0x0  }
.LBB2_2:
0x37: {  	[sflag:s4] =	ssyncadd.s32 $0xFFFFD000  }
0x38: {  	_ =	sfence.sel $0x180000  }
0x39: {  	[bflag:$0x0] =	sbarrier.arrive $0xFFFF  }
0x3a: {  	p0 =	sne.s32 s0, $0x0;
	_ =	strace $0x90000047  }
0x3b: {  	s0 =	sadd.s32 @!p0 $0x100000, s1;
	[bflag:$0x2] =	sbarrier.arrive $0xFFFF  }
0x3c: {  	[sflag:s0] =	ssyncadd.tile.s32 @!p0 $0x1;
	_ =	shalt  }
.Lfunc_end2:
_tile_overlayer_lowered:
.L_overlay_start_2:
0x3d: {  	(tag) =	ssettag $0x2  }
0x3e: {  	s0 =	rddreg [dreg:$0x0];
	s2 =	stileid.u32  }
0x3f: {  	s1 =	rddreg [dreg:$0x1];
	p0 =	sne.s32 s2, $0x0  }
0x40: {  	s3 =	rddreg [dreg:$0x2];
	[bflag:$0x3] =	sbarrier.arrive $0xFFFF;
	s2 =	simm.s32 @!p0 $0x1C02  }
0x41: {  	[timem:s3], [sflag:s2] =	dma.local @!p0 [hbm:s0], s1  }
0x42: {  	s0 =	simm.s32 @!p0 $0x2  }
0x43: {  	_ =	swait.ge @!p0 [sflag:s0], s1  }
0x44: {  	s1 =	ssub.s32 @!p0 $0x0, s1;
	[sflag:s0] =	ssyncset.done @!p0 $0x0  }
0x45: {  	[sflag:s0] =	ssyncadd.s32 @!p0 s1  }
0x46: {  	[bflag:$0x3] =	sbarrier.arrive $0xFFFF  }
0x47: {  	_ =	shalt  }

</sc_bundles>
